<compile_context>
chip_gen: v7x
topology: tpu7x:2x2x1
jax: 0.10.2.dev20260603
libtpu: 0.0.44.dev20260713+nightly
codegen_flags: <defaults>
</compile_context>

<pallas_src>
import functools

import jax
import jax.numpy as jnp
from jax import lax
from jax.experimental import pallas as pl
from jax.experimental.pallas import tpu as pltpu
from jax.experimental.pallas import tpu_sc as plsc

_NC = 2
_NS = 16
_K = 80
_SLOPE = 0.01


def _lrelu(x):
    return jnp.where(x >= 0, x, _SLOPE * x)


def _tc_init(feature, semantic, w1s, b1s2, w1m, b1m2, alpha2, beta2, blk):
    n, f = feature.shape
    s_dim = semantic.shape[1]
    h = w1s.shape[0]

    def body(f_r, se_r, w1s_r, b1s_r, w1m_r, b1m_r, a_r, b_r, o_r):
        a = a_r[0, 0]
        b = b_r[0, 0]
        x = lax.dot_general(f_r[...], w1s_r[...], (((1,), (1,)), ((), ())),
                            preferred_element_type=jnp.float32) + b1s_r[...]
        y = lax.dot_general(se_r[...], w1m_r[...], (((1,), (1,)), ((), ())),
                            preferred_element_type=jnp.float32) + b1m_r[...]
        o_r[...] = a * _lrelu(x) + b * _lrelu(y)

    return pl.pallas_call(
        body,
        grid=(n // blk,),
        in_specs=[
            pl.BlockSpec((blk, f), lambda i: (i, 0)),
            pl.BlockSpec((blk, s_dim), lambda i: (i, 0)),
            pl.BlockSpec((h, f), lambda i: (0, 0)),
            pl.BlockSpec((1, h), lambda i: (0, 0)),
            pl.BlockSpec((h, s_dim), lambda i: (0, 0)),
            pl.BlockSpec((1, h), lambda i: (0, 0)),
            pl.BlockSpec((1, 1), lambda i: (0, 0)),
            pl.BlockSpec((1, 1), lambda i: (0, 0)),
        ],
        out_specs=pl.BlockSpec((blk, h), lambda i: (i, 0)),
        out_shape=jax.ShapeDtypeStruct((n, h), jnp.float32),
    )(feature, semantic, w1s, b1s2, w1m, b1m2, alpha2, beta2)


def _tc_dinv(degparts, npad, h):
    def body(d_r, o_r):
        dv = d_r[...]
        o_r[...] = 1.0 / jnp.maximum(dv[0] + dv[1], 1.0)

    return pl.pallas_call(
        body,
        out_shape=jax.ShapeDtypeStruct((npad, h), jnp.float32),
    )(degparts)


def _tc_update(emb, parts, dinv, w2, b22, alpha2, beta2, blk):
    n, h = emb.shape

    def body(e_r, p_r, d_r, w2_r, b2_r, a_r, b_r, o_r):
        a = a_r[0, 0]
        b = b_r[0, 0]
        pv = p_r[...]
        msum = pv[0] + pv[1]
        comb = a * e_r[...] + b * (msum * d_r[...])
        z = lax.dot_general(comb, w2_r[...], (((1,), (1,)), ((), ())),
                            preferred_element_type=jnp.float32) + b2_r[...]
        o_r[...] = _lrelu(z)

    return pl.pallas_call(
        body,
        grid=(n // blk,),
        in_specs=[
            pl.BlockSpec((blk, h), lambda i: (i, 0)),
            pl.BlockSpec((_NC, blk, h), lambda i: (0, i, 0)),
            pl.BlockSpec((blk, h), lambda i: (i, 0)),
            pl.BlockSpec((h, h), lambda i: (0, 0)),
            pl.BlockSpec((1, h), lambda i: (0, 0)),
            pl.BlockSpec((1, 1), lambda i: (0, 0)),
            pl.BlockSpec((1, 1), lambda i: (0, 0)),
        ],
        out_specs=pl.BlockSpec((blk, h), lambda i: (i, 0)),
        out_shape=jax.ShapeDtypeStruct((n, h), jnp.float32),
    )(emb, parts, dinv, w2, b22, alpha2, beta2)


def _sc_degree(dst3, ones_rows, zrows, npad, h, nchunk):
    nps = npad // _NS
    win = 8
    mesh = plsc.VectorSubcoreMesh(core_axis_name="c", subcore_axis_name="s",
                                  num_cores=_NC, num_subcores=_NS)

    @functools.partial(
        pl.kernel,
        out_type=jax.ShapeDtypeStruct((_NC, npad, h), jnp.float32),
        mesh=mesh,
        scratch_types=[
            pltpu.VMEM((nchunk, _K), jnp.int32),
            pltpu.VMEM((_K, h), jnp.float32),
            pltpu.VMEM_SHARED((npad, h), jnp.float32),
            pltpu.SemaphoreType.DMA,
        ],
    )
    def deg_kernel(dst3_h, ones_h, z_h, out_h, di2, ones_v, acc, ssem):
        c = lax.axis_index("c")
        s = lax.axis_index("s")
        wid = c * _NS + s
        row0 = s * nps
        pltpu.sync_copy(ones_h, ones_v)
        pltpu.sync_copy(dst3_h.at[wid], di2)
        pltpu.sync_copy(z_h, acc.at[pl.ds(row0, nps)])
        plsc.subcore_barrier()

        def s_start(j):
            pltpu.async_copy(ones_v, acc.at[di2.at[j]], ssem, add=True)

        def s_wait():
            pltpu.make_async_copy(ones_v, acc.at[di2.at[0]], ssem).wait()

        for b in range(win):
            s_start(b)

        def body(j, carry):
            s_wait()
            s_start(j + win)
            return carry

        lax.fori_loop(0, nchunk - win, body, 0)
        for _ in range(win):
            s_wait()
        plsc.subcore_barrier()
        pltpu.sync_copy(acc.at[pl.ds(row0, nps)], out_h.at[c, pl.ds(row0, nps)])

    return deg_kernel(dst3, ones_rows, zrows)


_NB = 4


def _sc_segsum(emb, src4, dst4, zrows, npad, h, t0):
    nps = npad // _NS
    assert t0 % 2 == 0 and t0 >= 4
    mesh = plsc.VectorSubcoreMesh(core_axis_name="c", subcore_axis_name="s",
                                  num_cores=_NC, num_subcores=_NS)

    @functools.partial(
        pl.kernel,
        out_type=jax.ShapeDtypeStruct((_NC, npad, h), jnp.float32),
        mesh=mesh,
        scratch_types=[
            [pltpu.VMEM((_NB, _K), jnp.int32)] * 2,
            [pltpu.VMEM((_NB, _K), jnp.int32)] * 2,
            [pltpu.VMEM((_K, h), jnp.float32)] * _NB,
            pltpu.VMEM_SHARED((npad, h), jnp.float32),
            [pltpu.SemaphoreType.DMA] * 2,
            [pltpu.SemaphoreType.DMA] * _NB,
            [pltpu.SemaphoreType.DMA] * _NB,
        ],
    )
    def seg_kernel(emb_h, src4_h, dst4_h, z_h, out_h, is2, id2, rows, acc,
                   isem, gsem, ssem):
        c = lax.axis_index("c")
        s = lax.axis_index("s")
        row0 = s * nps
        base = (c * _NS + s) * t0

        def i_start(g, p):
            pltpu.async_copy(src4_h.at[base + g], is2[p], isem[p])
            pltpu.async_copy(dst4_h.at[base + g], id2[p], isem[p])

        def i_wait(p):
            pltpu.make_async_copy(src4_h.at[base], is2[p], isem[p]).wait()
            pltpu.make_async_copy(src4_h.at[base], id2[p], isem[p]).wait()

        def g_start(p, b):
            pltpu.async_copy(emb_h.at[is2[p].at[b]], rows[b], gsem[b])

        def g_wait(p, b):
            pltpu.make_async_copy(emb_h.at[is2[p].at[b]], rows[b],
                                  gsem[b]).wait()

        def s_start(p, b):
            pltpu.async_copy(rows[b], acc.at[id2[p].at[b]], ssem[b], add=True)

        def s_wait(p, b):
            pltpu.make_async_copy(rows[b], acc.at[id2[p].at[b]],
                                  ssem[b]).wait()

        def process_group(g, p, pre):
            if pre:
                i_start(g + 1, 1 - p)
            for b in range(_NB):
                g_wait(p, b)
                s_start(p, b)
            if pre:
                i_wait(1 - p)
            for b in range(_NB):
                s_wait(p, b)
                if pre:
                    g_start(1 - p, b)

        i_start(0, 0)

        pltpu.sync_copy(z_h, acc.at[pl.ds(row0, nps)])
        plsc.subcore_barrier()

        i_wait(0)
        for b in range(_NB):
            g_start(0, b)

        def pair(t, carry):
            process_group(2 * t, 0, True)
            process_group(2 * t + 1, 1, True)
            return carry

        lax.fori_loop(0, t0 // 2 - 1, pair, 0)
        process_group(t0 - 2, 0, True)
        process_group(t0 - 1, 1, False)

        plsc.subcore_barrier()
        pltpu.sync_copy(acc.at[pl.ds(row0, nps)], out_h.at[c, pl.ds(row0, nps)])

    return seg_kernel(emb, src4, dst4, zrows)


def kernel(feature, semantic, edge_index, W1s, b1s, W1m, b1m, W2, b2, alpha,
           beta, num_iterations):
    n, _ = feature.shape
    h = W2.shape[0]
    e = edge_index.shape[1]
    nw = _NC * _NS

    npad = -(-(n + 1) // (_NS * 8)) * (_NS * 8)

    gsz = _NB * _K
    spc = -(-e // (nw * gsz))
    if spc % 2:
        spc += 1
    t0 = spc
    nslab = nw * t0
    e_pad = nslab * gsz
    src_p = jnp.concatenate(
        [edge_index[0], jnp.zeros((e_pad - e,), jnp.int32)])
    dst_p = jnp.concatenate(
        [edge_index[1], jnp.full((e_pad - e,), n, jnp.int32)])
    nchunk = t0 * _NB
    src4 = src_p.reshape(nslab, _NB, _K)
    dst4 = dst_p.reshape(nslab, _NB, _K)
    dst3 = dst_p.reshape(nw, nchunk, _K)

    alpha2 = jnp.asarray(alpha, jnp.float32).reshape(1, 1)
    beta2 = jnp.asarray(beta, jnp.float32).reshape(1, 1)
    b1s2 = b1s.reshape(1, -1)
    b1m2 = b1m.reshape(1, -1)
    b22 = b2.reshape(1, -1)

    nps = npad // _NS
    zrows = jnp.zeros((nps, h), jnp.float32)
    ones_rows = jnp.ones((_K, h), jnp.float32)

    degp = _sc_degree(dst3, ones_rows, zrows, npad, h, nchunk)
    dinv = _tc_dinv(degp, npad, h)
    emb0 = _tc_init(feature, semantic, W1s, b1s2, W1m, b1m2, alpha2, beta2,
                    blk=2000)

    def body(_, emb):
        parts = _sc_segsum(emb, src4, dst4, zrows, npad, h, t0)
        return _tc_update(emb, parts, dinv, W2, b22, alpha2, beta2, blk=2000)

    return lax.fori_loop(0, num_iterations, body, emb0)

# --- scband reference (transcript-rebuilt; emitter-appended) ---
"""Pipeline reference for scband-structure2-vec-59751585022453 (READ-ONLY COPY).

The authoritative reference and input builder live on the scoring server;
editing this copy changes nothing except your own understanding.
"""

import jax, jax.numpy as jnp
import numpy as np

N = 10000
E = 320000
F = 128
H = 128
S = 128


def setup_inputs(seed: int = 0) -> dict:
    key = jax.random.key(seed)
    ks = jax.random.split(key, 10)
    feature = jax.random.normal(ks[0], (N, F), dtype=jnp.float32)
    semantic = jax.random.normal(ks[1], (N, S), dtype=jnp.float32)
    edge_index = jax.random.randint(ks[2], (2, E), 0, N, dtype=jnp.int32)
    W1s = jax.random.normal(ks[3], (H, F), dtype=jnp.float32) * 0.05
    b1s = jnp.zeros((H,), dtype=jnp.float32)
    W1m = jax.random.normal(ks[4], (H, S), dtype=jnp.float32) * 0.05
    b1m = jnp.zeros((H,), dtype=jnp.float32)
    W2 = jax.random.normal(ks[5], (H, H), dtype=jnp.float32) * 0.05
    b2 = jnp.zeros((H,), dtype=jnp.float32)
    alpha = jnp.asarray(0.5, dtype=jnp.float32)
    beta = jnp.asarray(0.5, dtype=jnp.float32)
    return {
        "feature": feature,
        "semantic": semantic,
        "edge_index": edge_index,
        "W1s": W1s,
        "b1s": b1s,
        "W1m": W1m,
        "b1m": b1m,
        "W2": W2,
        "b2": b2,
        "alpha": alpha,
        "beta": beta,
        "num_iterations": 3,
    }


def reference(feature, semantic, edge_index, W1s, b1s, W1m, b1m, W2, b2, alpha, beta, num_iterations):
    slope = 0.01
    lrelu = lambda x: jax.nn.leaky_relu(x, negative_slope=slope)
    # initial per-node embedding: alpha * lrelu(fc1_struct(feat)) + beta * lrelu(fc1_sem(sem))
    struct_feat = lrelu(feature @ W1s.T + b1s)
    sem_feat = lrelu(semantic @ W1m.T + b1m)
    emb = alpha * struct_feat + beta * sem_feat
    src = edge_index[0]
    dst = edge_index[1]
    ones = jnp.ones(src.shape[0], dtype=jnp.float32)
    deg = jax.ops.segment_sum(ones, dst, num_segments=N)
    denom = jnp.maximum(deg, 1.0)[:, None]

    def body(_, emb):
        # mean over neighbor embeddings (zeros if no neighbors, matching original)
        msg_sum = jax.ops.segment_sum(emb[src], dst, num_segments=N)
        nbr_mean = msg_sum / denom
        combined = alpha * emb + beta * nbr_mean
        return lrelu(combined @ W2.T + b2)

    emb = jax.lax.fori_loop(0, num_iterations, body, emb)
    return emb

if __name__ == "__main__":
    import jax
    _d = setup_inputs()
    print(jax.jit(kernel)(*tuple(_d.values())))

</pallas_src>

<mosaic_0001>
#map = affine_map<(d0, d1) -> (0, 0, 0)>
#map1 = affine_map<(d0, d1) -> (0, 0)>
module attributes {stable_mosaic.version = 14 : i64} {
  func.func @deg_kernel(%arg0: i32, %arg1: i32, %arg2: memref<32x128x80xi32, #tpu.memory_space<hbm>>, %arg3: memref<80x128xf32, #tpu.memory_space<hbm>>, %arg4: memref<632x128xf32, #tpu.memory_space<hbm>>, %arg5: memref<2x10112x128xf32, #tpu.memory_space<hbm>>, %arg6: memref<128x80xi32, #tpu.memory_space<vmem>>, %arg7: memref<80x128xf32, #tpu.memory_space<vmem>>, %arg8: memref<10112x128xf32, #tpu.memory_space<vmem_shared>>, %arg9: memref<!tpu.dma_semaphore, #tpu.memory_space<semaphore_mem>>) attributes {dimension_semantics = [#tpu.dimension_semantics<core_parallel>, #tpu.dimension_semantics<subcore_parallel>], iteration_bounds = array<i64: 2, 16>, scalar_prefetch = 0 : i64, scratch_operands = 4 : i64, tpu.core_type = #tpu.core_type<sc_vector_subcore>, window_params = [{transform_indices = #map}, {transform_indices = #map1}, {transform_indices = #map1}, {transform_indices = #map}]} {
    %mul3A = arith.constant 16 : i32
    %mul3A_0 = arith.muli %arg0, %mul3A : i32
    %add3A = arith.addi %mul3A_0, %arg1 : i32
    %mul3A_1 = arith.constant 632 : i32
    %mul3A_2 = arith.muli %arg1, %mul3A_1 : i32
    "tpu.region"() ({
      %run_scoped3A = tpu.sem_alloc : memref<!tpu.dma_semaphore, #tpu.memory_space<semaphore_mem>>
      tpu.enqueue_dma source(%arg3 : memref<80x128xf32, #tpu.memory_space<hbm>>) target(%arg7 : memref<80x128xf32, #tpu.memory_space<vmem>>) target_semaphore(%run_scoped3A : memref<!tpu.dma_semaphore, #tpu.memory_space<semaphore_mem>>)
      tpu.wait_dma2 semaphore(%run_scoped3A : memref<!tpu.dma_semaphore, #tpu.memory_space<semaphore_mem>>) src(%arg3 : memref<80x128xf32, #tpu.memory_space<hbm>>) dst(%arg7 : memref<80x128xf32, #tpu.memory_space<vmem>>)
      tpu.yield
    }) : () -> ()
    "tpu.region"() ({
      %run_scoped3A = tpu.sem_alloc : memref<!tpu.dma_semaphore, #tpu.memory_space<semaphore_mem>>
      %dma_start3A_119 = arith.constant 0 : i32
      %dma_start3A_120 = arith.constant 0 : i32
      %dma_start3A_121 = tpu.memref_slice %arg2[%add3A, %dma_start3A_119, %dma_start3A_120] : memref<32x128x80xi32, #tpu.memory_space<hbm>> -> memref<1x128x80xi32, #tpu.memory_space<hbm>>
      %dma_start3A_122 = tpu.memref_squeeze %dma_start3A_121 : memref<1x128x80xi32, #tpu.memory_space<hbm>> -> memref<128x80xi32, #tpu.memory_space<hbm>>
      %dma_start3A_123 = arith.constant 0 : i32
      %dma_start3A_124 = arith.constant 0 : i32
      %dma_start3A_125 = tpu.memref_slice %arg2[%add3A, %dma_start3A_123, %dma_start3A_124] : memref<32x128x80xi32, #tpu.memory_space<hbm>> -> memref<1x128x80xi32, #tpu.memory_space<hbm>>
      %dma_start3A_126 = tpu.memref_squeeze %dma_start3A_125 : memref<1x128x80xi32, #tpu.memory_space<hbm>> -> memref<128x80xi32, #tpu.memory_space<hbm>>
      tpu.enqueue_dma source(%dma_start3A_126 : memref<128x80xi32, #tpu.memory_space<hbm>>) target(%arg6 : memref<128x80xi32, #tpu.memory_space<vmem>>) target_semaphore(%run_scoped3A : memref<!tpu.dma_semaphore, #tpu.memory_space<semaphore_mem>>)
      %dma_wait3A_127 = arith.constant 0 : i32
      %dma_wait3A_128 = arith.constant 0 : i32
      %dma_wait3A_129 = tpu.memref_slice %arg2[%add3A, %dma_wait3A_127, %dma_wait3A_128] : memref<32x128x80xi32, #tpu.memory_space<hbm>> -> memref<1x128x80xi32, #tpu.memory_space<hbm>>
      %dma_wait3A_130 = tpu.memref_squeeze %dma_wait3A_129 : memref<1x128x80xi32, #tpu.memory_space<hbm>> -> memref<128x80xi32, #tpu.memory_space<hbm>>
      %dma_wait3A_131 = arith.constant 0 : i32
      %dma_wait3A_132 = arith.constant 0 : i32
      %dma_wait3A_133 = tpu.memref_slice %arg2[%add3A, %dma_wait3A_131, %dma_wait3A_132] : memref<32x128x80xi32, #tpu.memory_space<hbm>> -> memref<1x128x80xi32, #tpu.memory_space<hbm>>
      %dma_wait3A_134 = tpu.memref_squeeze %dma_wait3A_133 : memref<1x128x80xi32, #tpu.memory_space<hbm>> -> memref<128x80xi32, #tpu.memory_space<hbm>>
      tpu.wait_dma2 semaphore(%run_scoped3A : memref<!tpu.dma_semaphore, #tpu.memory_space<semaphore_mem>>) src(%dma_wait3A_134 : memref<128x80xi32, #tpu.memory_space<hbm>>) dst(%arg6 : memref<128x80xi32, #tpu.memory_space<vmem>>)
      tpu.yield
    }) : () -> ()
    "tpu.region"() ({
      %run_scoped3A = tpu.sem_alloc : memref<!tpu.dma_semaphore, #tpu.memory_space<semaphore_mem>>
      %dma_start3A_119 = arith.constant 0 : i32
      %dma_start3A_120 = tpu.memref_slice %arg8[%mul3A_2, %dma_start3A_119] : memref<10112x128xf32, #tpu.memory_space<vmem_shared>> -> memref<632x128xf32, #tpu.memory_space<vmem_shared>>
      tpu.enqueue_dma source(%arg4 : memref<632x128xf32, #tpu.memory_space<hbm>>) target(%dma_start3A_120 : memref<632x128xf32, #tpu.memory_space<vmem_shared>>) target_semaphore(%run_scoped3A : memref<!tpu.dma_semaphore, #tpu.memory_space<semaphore_mem>>)
      %dma_wait3A_121 = arith.constant 0 : i32
      %dma_wait3A_122 = tpu.memref_slice %arg8[%mul3A_2, %dma_wait3A_121] : memref<10112x128xf32, #tpu.memory_space<vmem_shared>> -> memref<632x128xf32, #tpu.memory_space<vmem_shared>>
      tpu.wait_dma2 semaphore(%run_scoped3A : memref<!tpu.dma_semaphore, #tpu.memory_space<semaphore_mem>>) src(%arg4 : memref<632x128xf32, #tpu.memory_space<hbm>>) dst(%dma_wait3A_122 : memref<632x128xf32, #tpu.memory_space<vmem_shared>>)
      tpu.yield
    }) : () -> ()
    %barrier3A = arith.constant 0 : index
    tpu.barrier barrier_id(%barrier3A)
    %dma_start3A = arith.constant 0 : i32
    %dma_start3A_3 = arith.constant 0 : i32
    %dma_start3A_4 = tpu.memref_slice %arg6[%dma_start3A, %dma_start3A_3] : memref<128x80xi32, #tpu.memory_space<vmem>> -> memref<1x80xi32, #tpu.memory_space<vmem>>
    %dma_start3A_5 = tpu.memref_squeeze %dma_start3A_4 : memref<1x80xi32, #tpu.memory_space<vmem>> -> memref<80xi32, #tpu.memory_space<vmem>>
    %dma_start3A_6 = arith.constant 0 : i32
    %dma_start3A_7 = arith.constant 0 : i32
    %dma_start3A_8 = tpu.memref_slice %arg8[%dma_start3A_6, %dma_start3A_7] : memref<10112x128xf32, #tpu.memory_space<vmem_shared>> -> memref<10112x128xf32, #tpu.memory_space<vmem_shared>>
    tpu.enqueue_indirect_dma source(%arg7 : memref<80x128xf32, #tpu.memory_space<vmem>>) target(%dma_start3A_8 : memref<10112x128xf32, #tpu.memory_space<vmem_shared>>) offsets(%dma_start3A_5 : memref<80xi32, #tpu.memory_space<vmem>>) semaphore(%arg9 : memref<!tpu.dma_semaphore, #tpu.memory_space<semaphore_mem>>) {add = true}
    %dma_start3A_9 = arith.constant 1 : i32
    %dma_start3A_10 = arith.constant 0 : i32
    %dma_start3A_11 = tpu.memref_slice %arg6[%dma_start3A_9, %dma_start3A_10] : memref<128x80xi32, #tpu.memory_space<vmem>> -> memref<1x80xi32, #tpu.memory_space<vmem>>
    %dma_start3A_12 = tpu.memref_squeeze %dma_start3A_11 : memref<1x80xi32, #tpu.memory_space<vmem>> -> memref<80xi32, #tpu.memory_space<vmem>>
    %dma_start3A_13 = arith.constant 0 : i32
    %dma_start3A_14 = arith.constant 0 : i32
    %dma_start3A_15 = tpu.memref_slice %arg8[%dma_start3A_13, %dma_start3A_14] : memref<10112x128xf32, #tpu.memory_space<vmem_shared>> -> memref<10112x128xf32, #tpu.memory_space<vmem_shared>>
    tpu.enqueue_indirect_dma source(%arg7 : memref<80x128xf32, #tpu.memory_space<vmem>>) target(%dma_start3A_15 : memref<10112x128xf32, #tpu.memory_space<vmem_shared>>) offsets(%dma_start3A_12 : memref<80xi32, #tpu.memory_space<vmem>>) semaphore(%arg9 : memref<!tpu.dma_semaphore, #tpu.memory_space<semaphore_mem>>) {add = true}
    %dma_start3A_16 = arith.constant 2 : i32
    %dma_start3A_17 = arith.constant 0 : i32
    %dma_start3A_18 = tpu.memref_slice %arg6[%dma_start3A_16, %dma_start3A_17] : memref<128x80xi32, #tpu.memory_space<vmem>> -> memref<1x80xi32, #tpu.memory_space<vmem>>
    %dma_start3A_19 = tpu.memref_squeeze %dma_start3A_18 : memref<1x80xi32, #tpu.memory_space<vmem>> -> memref<80xi32, #tpu.memory_space<vmem>>
    %dma_start3A_20 = arith.constant 0 : i32
    %dma_start3A_21 = arith.constant 0 : i32
    %dma_start3A_22 = tpu.memref_slice %arg8[%dma_start3A_20, %dma_start3A_21] : memref<10112x128xf32, #tpu.memory_space<vmem_shared>> -> memref<10112x128xf32, #tpu.memory_space<vmem_shared>>
    tpu.enqueue_indirect_dma source(%arg7 : memref<80x128xf32, #tpu.memory_space<vmem>>) target(%dma_start3A_22 : memref<10112x128xf32, #tpu.memory_space<vmem_shared>>) offsets(%dma_start3A_19 : memref<80xi32, #tpu.memory_space<vmem>>) semaphore(%arg9 : memref<!tpu.dma_semaphore, #tpu.memory_space<semaphore_mem>>) {add = true}
    %dma_start3A_23 = arith.constant 3 : i32
    %dma_start3A_24 = arith.constant 0 : i32
    %dma_start3A_25 = tpu.memref_slice %arg6[%dma_start3A_23, %dma_start3A_24] : memref<128x80xi32, #tpu.memory_space<vmem>> -> memref<1x80xi32, #tpu.memory_space<vmem>>
    %dma_start3A_26 = tpu.memref_squeeze %dma_start3A_25 : memref<1x80xi32, #tpu.memory_space<vmem>> -> memref<80xi32, #tpu.memory_space<vmem>>
    %dma_start3A_27 = arith.constant 0 : i32
    %dma_start3A_28 = arith.constant 0 : i32
    %dma_start3A_29 = tpu.memref_slice %arg8[%dma_start3A_27, %dma_start3A_28] : memref<10112x128xf32, #tpu.memory_space<vmem_shared>> -> memref<10112x128xf32, #tpu.memory_space<vmem_shared>>
    tpu.enqueue_indirect_dma source(%arg7 : memref<80x128xf32, #tpu.memory_space<vmem>>) target(%dma_start3A_29 : memref<10112x128xf32, #tpu.memory_space<vmem_shared>>) offsets(%dma_start3A_26 : memref<80xi32, #tpu.memory_space<vmem>>) semaphore(%arg9 : memref<!tpu.dma_semaphore, #tpu.memory_space<semaphore_mem>>) {add = true}
    %dma_start3A_30 = arith.constant 4 : i32
    %dma_start3A_31 = arith.constant 0 : i32
    %dma_start3A_32 = tpu.memref_slice %arg6[%dma_start3A_30, %dma_start3A_31] : memref<128x80xi32, #tpu.memory_space<vmem>> -> memref<1x80xi32, #tpu.memory_space<vmem>>
    %dma_start3A_33 = tpu.memref_squeeze %dma_start3A_32 : memref<1x80xi32, #tpu.memory_space<vmem>> -> memref<80xi32, #tpu.memory_space<vmem>>
    %dma_start3A_34 = arith.constant 0 : i32
    %dma_start3A_35 = arith.constant 0 : i32
    %dma_start3A_36 = tpu.memref_slice %arg8[%dma_start3A_34, %dma_start3A_35] : memref<10112x128xf32, #tpu.memory_space<vmem_shared>> -> memref<10112x128xf32, #tpu.memory_space<vmem_shared>>
    tpu.enqueue_indirect_dma source(%arg7 : memref<80x128xf32, #tpu.memory_space<vmem>>) target(%dma_start3A_36 : memref<10112x128xf32, #tpu.memory_space<vmem_shared>>) offsets(%dma_start3A_33 : memref<80xi32, #tpu.memory_space<vmem>>) semaphore(%arg9 : memref<!tpu.dma_semaphore, #tpu.memory_space<semaphore_mem>>) {add = true}
    %dma_start3A_37 = arith.constant 5 : i32
    %dma_start3A_38 = arith.constant 0 : i32
    %dma_start3A_39 = tpu.memref_slice %arg6[%dma_start3A_37, %dma_start3A_38] : memref<128x80xi32, #tpu.memory_space<vmem>> -> memref<1x80xi32, #tpu.memory_space<vmem>>
    %dma_start3A_40 = tpu.memref_squeeze %dma_start3A_39 : memref<1x80xi32, #tpu.memory_space<vmem>> -> memref<80xi32, #tpu.memory_space<vmem>>
    %dma_start3A_41 = arith.constant 0 : i32
    %dma_start3A_42 = arith.constant 0 : i32
    %dma_start3A_43 = tpu.memref_slice %arg8[%dma_start3A_41, %dma_start3A_42] : memref<10112x128xf32, #tpu.memory_space<vmem_shared>> -> memref<10112x128xf32, #tpu.memory_space<vmem_shared>>
    tpu.enqueue_indirect_dma source(%arg7 : memref<80x128xf32, #tpu.memory_space<vmem>>) target(%dma_start3A_43 : memref<10112x128xf32, #tpu.memory_space<vmem_shared>>) offsets(%dma_start3A_40 : memref<80xi32, #tpu.memory_space<vmem>>) semaphore(%arg9 : memref<!tpu.dma_semaphore, #tpu.memory_space<semaphore_mem>>) {add = true}
    %dma_start3A_44 = arith.constant 6 : i32
    %dma_start3A_45 = arith.constant 0 : i32
    %dma_start3A_46 = tpu.memref_slice %arg6[%dma_start3A_44, %dma_start3A_45] : memref<128x80xi32, #tpu.memory_space<vmem>> -> memref<1x80xi32, #tpu.memory_space<vmem>>
    %dma_start3A_47 = tpu.memref_squeeze %dma_start3A_46 : memref<1x80xi32, #tpu.memory_space<vmem>> -> memref<80xi32, #tpu.memory_space<vmem>>
    %dma_start3A_48 = arith.constant 0 : i32
    %dma_start3A_49 = arith.constant 0 : i32
    %dma_start3A_50 = tpu.memref_slice %arg8[%dma_start3A_48, %dma_start3A_49] : memref<10112x128xf32, #tpu.memory_space<vmem_shared>> -> memref<10112x128xf32, #tpu.memory_space<vmem_shared>>
    tpu.enqueue_indirect_dma source(%arg7 : memref<80x128xf32, #tpu.memory_space<vmem>>) target(%dma_start3A_50 : memref<10112x128xf32, #tpu.memory_space<vmem_shared>>) offsets(%dma_start3A_47 : memref<80xi32, #tpu.memory_space<vmem>>) semaphore(%arg9 : memref<!tpu.dma_semaphore, #tpu.memory_space<semaphore_mem>>) {add = true}
    %dma_start3A_51 = arith.constant 7 : i32
    %dma_start3A_52 = arith.constant 0 : i32
    %dma_start3A_53 = tpu.memref_slice %arg6[%dma_start3A_51, %dma_start3A_52] : memref<128x80xi32, #tpu.memory_space<vmem>> -> memref<1x80xi32, #tpu.memory_space<vmem>>
    %dma_start3A_54 = tpu.memref_squeeze %dma_start3A_53 : memref<1x80xi32, #tpu.memory_space<vmem>> -> memref<80xi32, #tpu.memory_space<vmem>>
    %dma_start3A_55 = arith.constant 0 : i32
    %dma_start3A_56 = arith.constant 0 : i32
    %dma_start3A_57 = tpu.memref_slice %arg8[%dma_start3A_55, %dma_start3A_56] : memref<10112x128xf32, #tpu.memory_space<vmem_shared>> -> memref<10112x128xf32, #tpu.memory_space<vmem_shared>>
    tpu.enqueue_indirect_dma source(%arg7 : memref<80x128xf32, #tpu.memory_space<vmem>>) target(%dma_start3A_57 : memref<10112x128xf32, #tpu.memory_space<vmem_shared>>) offsets(%dma_start3A_54 : memref<80xi32, #tpu.memory_space<vmem>>) semaphore(%arg9 : memref<!tpu.dma_semaphore, #tpu.memory_space<semaphore_mem>>) {add = true}
    %scan3A = arith.constant 0 : i32
    %scan3A_58 = arith.constant 0 : i32
    %scan3A_59 = arith.constant 120 : i32
    %scan3A_60 = arith.addi %scan3A_58, %scan3A_59 : i32
    %scan3A_61 = arith.constant 1 : i32
    scf.for %scan3A_119 = %scan3A_58 to %scan3A_60 step %scan3A_61  : i32 {
      %dma_wait3A_120 = arith.constant 0 : i32
      %dma_wait3A_121 = arith.constant 0 : i32
      %dma_wait3A_122 = tpu.memref_slice %arg6[%dma_wait3A_120, %dma_wait3A_121] : memref<128x80xi32, #tpu.memory_space<vmem>> -> memref<1x80xi32, #tpu.memory_space<vmem>>
      %dma_wait3A_123 = tpu.memref_squeeze %dma_wait3A_122 : memref<1x80xi32, #tpu.memory_space<vmem>> -> memref<80xi32, #tpu.memory_space<vmem>>
      %dma_wait3A_124 = arith.constant 0 : i32
      %dma_wait3A_125 = arith.constant 0 : i32
      %dma_wait3A_126 = tpu.memref_slice %arg8[%dma_wait3A_124, %dma_wait3A_125] : memref<10112x128xf32, #tpu.memory_space<vmem_shared>> -> memref<10112x128xf32, #tpu.memory_space<vmem_shared>>
      tpu.wait_indirect_dma semaphore(%arg9 : memref<!tpu.dma_semaphore, #tpu.memory_space<semaphore_mem>>) src(%arg7 : memref<80x128xf32, #tpu.memory_space<vmem>>) dst(%dma_wait3A_126 : memref<10112x128xf32, #tpu.memory_space<vmem_shared>>)
      %add3A_127 = arith.constant 8 : i32
      %add3A_128 = arith.addi %scan3A_119, %add3A_127 : i32
      %dma_start3A_129 = arith.constant 0 : i32
      %dma_start3A_130 = tpu.memref_slice %arg6[%add3A_128, %dma_start3A_129] : memref<128x80xi32, #tpu.memory_space<vmem>> -> memref<1x80xi32, #tpu.memory_space<vmem>>
      %dma_start3A_131 = tpu.memref_squeeze %dma_start3A_130 : memref<1x80xi32, #tpu.memory_space<vmem>> -> memref<80xi32, #tpu.memory_space<vmem>>
      %dma_start3A_132 = arith.constant 0 : i32
      %dma_start3A_133 = arith.constant 0 : i32
      %dma_start3A_134 = tpu.memref_slice %arg8[%dma_start3A_132, %dma_start3A_133] : memref<10112x128xf32, #tpu.memory_space<vmem_shared>> -> memref<10112x128xf32, #tpu.memory_space<vmem_shared>>
      tpu.enqueue_indirect_dma source(%arg7 : memref<80x128xf32, #tpu.memory_space<vmem>>) target(%dma_start3A_134 : memref<10112x128xf32, #tpu.memory_space<vmem_shared>>) offsets(%dma_start3A_131 : memref<80xi32, #tpu.memory_space<vmem>>) semaphore(%arg9 : memref<!tpu.dma_semaphore, #tpu.memory_space<semaphore_mem>>) {add = true}
    }
    %scan3A_62 = arith.constant 120 : i32
    %dma_wait3A = arith.constant 0 : i32
    %dma_wait3A_63 = arith.constant 0 : i32
    %dma_wait3A_64 = tpu.memref_slice %arg6[%dma_wait3A, %dma_wait3A_63] : memref<128x80xi32, #tpu.memory_space<vmem>> -> memref<1x80xi32, #tpu.memory_space<vmem>>
    %dma_wait3A_65 = tpu.memref_squeeze %dma_wait3A_64 : memref<1x80xi32, #tpu.memory_space<vmem>> -> memref<80xi32, #tpu.memory_space<vmem>>
    %dma_wait3A_66 = arith.constant 0 : i32
    %dma_wait3A_67 = arith.constant 0 : i32
    %dma_wait3A_68 = tpu.memref_slice %arg8[%dma_wait3A_66, %dma_wait3A_67] : memref<10112x128xf32, #tpu.memory_space<vmem_shared>> -> memref<10112x128xf32, #tpu.memory_space<vmem_shared>>
    tpu.wait_indirect_dma semaphore(%arg9 : memref<!tpu.dma_semaphore, #tpu.memory_space<semaphore_mem>>) src(%arg7 : memref<80x128xf32, #tpu.memory_space<vmem>>) dst(%dma_wait3A_68 : memref<10112x128xf32, #tpu.memory_space<vmem_shared>>)
    %dma_wait3A_69 = arith.constant 0 : i32
    %dma_wait3A_70 = arith.constant 0 : i32
    %dma_wait3A_71 = tpu.memref_slice %arg6[%dma_wait3A_69, %dma_wait3A_70] : memref<128x80xi32, #tpu.memory_space<vmem>> -> memref<1x80xi32, #tpu.memory_space<vmem>>
    %dma_wait3A_72 = tpu.memref_squeeze %dma_wait3A_71 : memref<1x80xi32, #tpu.memory_space<vmem>> -> memref<80xi32, #tpu.memory_space<vmem>>
    %dma_wait3A_73 = arith.constant 0 : i32
    %dma_wait3A_74 = arith.constant 0 : i32
    %dma_wait3A_75 = tpu.memref_slice %arg8[%dma_wait3A_73, %dma_wait3A_74] : memref<10112x128xf32, #tpu.memory_space<vmem_shared>> -> memref<10112x128xf32, #tpu.memory_space<vmem_shared>>
    tpu.wait_indirect_dma semaphore(%arg9 : memref<!tpu.dma_semaphore, #tpu.memory_space<semaphore_mem>>) src(%arg7 : memref<80x128xf32, #tpu.memory_space<vmem>>) dst(%dma_wait3A_75 : memref<10112x128xf32, #tpu.memory_space<vmem_shared>>)
    %dma_wait3A_76 = arith.constant 0 : i32
    %dma_wait3A_77 = arith.constant 0 : i32
    %dma_wait3A_78 = tpu.memref_slice %arg6[%dma_wait3A_76, %dma_wait3A_77] : memref<128x80xi32, #tpu.memory_space<vmem>> -> memref<1x80xi32, #tpu.memory_space<vmem>>
    %dma_wait3A_79 = tpu.memref_squeeze %dma_wait3A_78 : memref<1x80xi32, #tpu.memory_space<vmem>> -> memref<80xi32, #tpu.memory_space<vmem>>
    %dma_wait3A_80 = arith.constant 0 : i32
    %dma_wait3A_81 = arith.constant 0 : i32
    %dma_wait3A_82 = tpu.memref_slice %arg8[%dma_wait3A_80, %dma_wait3A_81] : memref<10112x128xf32, #tpu.memory_space<vmem_shared>> -> memref<10112x128xf32, #tpu.memory_space<vmem_shared>>
    tpu.wait_indirect_dma semaphore(%arg9 : memref<!tpu.dma_semaphore, #tpu.memory_space<semaphore_mem>>) src(%arg7 : memref<80x128xf32, #tpu.memory_space<vmem>>) dst(%dma_wait3A_82 : memref<10112x128xf32, #tpu.memory_space<vmem_shared>>)
    %dma_wait3A_83 = arith.constant 0 : i32
    %dma_wait3A_84 = arith.constant 0 : i32
    %dma_wait3A_85 = tpu.memref_slice %arg6[%dma_wait3A_83, %dma_wait3A_84] : memref<128x80xi32, #tpu.memory_space<vmem>> -> memref<1x80xi32, #tpu.memory_space<vmem>>
    %dma_wait3A_86 = tpu.memref_squeeze %dma_wait3A_85 : memref<1x80xi32, #tpu.memory_space<vmem>> -> memref<80xi32, #tpu.memory_space<vmem>>
    %dma_wait3A_87 = arith.constant 0 : i32
    %dma_wait3A_88 = arith.constant 0 : i32
    %dma_wait3A_89 = tpu.memref_slice %arg8[%dma_wait3A_87, %dma_wait3A_88] : memref<10112x128xf32, #tpu.memory_space<vmem_shared>> -> memref<10112x128xf32, #tpu.memory_space<vmem_shared>>
    tpu.wait_indirect_dma semaphore(%arg9 : memref<!tpu.dma_semaphore, #tpu.memory_space<semaphore_mem>>) src(%arg7 : memref<80x128xf32, #tpu.memory_space<vmem>>) dst(%dma_wait3A_89 : memref<10112x128xf32, #tpu.memory_space<vmem_shared>>)
    %dma_wait3A_90 = arith.constant 0 : i32
    %dma_wait3A_91 = arith.constant 0 : i32
    %dma_wait3A_92 = tpu.memref_slice %arg6[%dma_wait3A_90, %dma_wait3A_91] : memref<128x80xi32, #tpu.memory_space<vmem>> -> memref<1x80xi32, #tpu.memory_space<vmem>>
    %dma_wait3A_93 = tpu.memref_squeeze %dma_wait3A_92 : memref<1x80xi32, #tpu.memory_space<vmem>> -> memref<80xi32, #tpu.memory_space<vmem>>
    %dma_wait3A_94 = arith.constant 0 : i32
    %dma_wait3A_95 = arith.constant 0 : i32
    %dma_wait3A_96 = tpu.memref_slice %arg8[%dma_wait3A_94, %dma_wait3A_95] : memref<10112x128xf32, #tpu.memory_space<vmem_shared>> -> memref<10112x128xf32, #tpu.memory_space<vmem_shared>>
    tpu.wait_indirect_dma semaphore(%arg9 : memref<!tpu.dma_semaphore, #tpu.memory_space<semaphore_mem>>) src(%arg7 : memref<80x128xf32, #tpu.memory_space<vmem>>) dst(%dma_wait3A_96 : memref<10112x128xf32, #tpu.memory_space<vmem_shared>>)
    %dma_wait3A_97 = arith.constant 0 : i32
    %dma_wait3A_98 = arith.constant 0 : i32
    %dma_wait3A_99 = tpu.memref_slice %arg6[%dma_wait3A_97, %dma_wait3A_98] : memref<128x80xi32, #tpu.memory_space<vmem>> -> memref<1x80xi32, #tpu.memory_space<vmem>>
    %dma_wait3A_100 = tpu.memref_squeeze %dma_wait3A_99 : memref<1x80xi32, #tpu.memory_space<vmem>> -> memref<80xi32, #tpu.memory_space<vmem>>
    %dma_wait3A_101 = arith.constant 0 : i32
    %dma_wait3A_102 = arith.constant 0 : i32
    %dma_wait3A_103 = tpu.memref_slice %arg8[%dma_wait3A_101, %dma_wait3A_102] : memref<10112x128xf32, #tpu.memory_space<vmem_shared>> -> memref<10112x128xf32, #tpu.memory_space<vmem_shared>>
    tpu.wait_indirect_dma semaphore(%arg9 : memref<!tpu.dma_semaphore, #tpu.memory_space<semaphore_mem>>) src(%arg7 : memref<80x128xf32, #tpu.memory_space<vmem>>) dst(%dma_wait3A_103 : memref<10112x128xf32, #tpu.memory_space<vmem_shared>>)
    %dma_wait3A_104 = arith.constant 0 : i32
    %dma_wait3A_105 = arith.constant 0 : i32
    %dma_wait3A_106 = tpu.memref_slice %arg6[%dma_wait3A_104, %dma_wait3A_105] : memref<128x80xi32, #tpu.memory_space<vmem>> -> memref<1x80xi32, #tpu.memory_space<vmem>>
    %dma_wait3A_107 = tpu.memref_squeeze %dma_wait3A_106 : memref<1x80xi32, #tpu.memory_space<vmem>> -> memref<80xi32, #tpu.memory_space<vmem>>
    %dma_wait3A_108 = arith.constant 0 : i32
    %dma_wait3A_109 = arith.constant 0 : i32
    %dma_wait3A_110 = tpu.memref_slice %arg8[%dma_wait3A_108, %dma_wait3A_109] : memref<10112x128xf32, #tpu.memory_space<vmem_shared>> -> memref<10112x128xf32, #tpu.memory_space<vmem_shared>>
    tpu.wait_indirect_dma semaphore(%arg9 : memref<!tpu.dma_semaphore, #tpu.memory_space<semaphore_mem>>) src(%arg7 : memref<80x128xf32, #tpu.memory_space<vmem>>) dst(%dma_wait3A_110 : memref<10112x128xf32, #tpu.memory_space<vmem_shared>>)
    %dma_wait3A_111 = arith.constant 0 : i32
    %dma_wait3A_112 = arith.constant 0 : i32
    %dma_wait3A_113 = tpu.memref_slice %arg6[%dma_wait3A_111, %dma_wait3A_112] : memref<128x80xi32, #tpu.memory_space<vmem>> -> memref<1x80xi32, #tpu.memory_space<vmem>>
    %dma_wait3A_114 = tpu.memref_squeeze %dma_wait3A_113 : memref<1x80xi32, #tpu.memory_space<vmem>> -> memref<80xi32, #tpu.memory_space<vmem>>
    %dma_wait3A_115 = arith.constant 0 : i32
    %dma_wait3A_116 = arith.constant 0 : i32
    %dma_wait3A_117 = tpu.memref_slice %arg8[%dma_wait3A_115, %dma_wait3A_116] : memref<10112x128xf32, #tpu.memory_space<vmem_shared>> -> memref<10112x128xf32, #tpu.memory_space<vmem_shared>>
    tpu.wait_indirect_dma semaphore(%arg9 : memref<!tpu.dma_semaphore, #tpu.memory_space<semaphore_mem>>) src(%arg7 : memref<80x128xf32, #tpu.memory_space<vmem>>) dst(%dma_wait3A_117 : memref<10112x128xf32, #tpu.memory_space<vmem_shared>>)
    %barrier3A_118 = arith.constant 0 : index
    tpu.barrier barrier_id(%barrier3A_118)
    "tpu.region"() ({
      %run_scoped3A = tpu.sem_alloc : memref<!tpu.dma_semaphore, #tpu.memory_space<semaphore_mem>>
      %dma_start3A_119 = arith.constant 0 : i32
      %dma_start3A_120 = tpu.memref_slice %arg5[%arg0, %mul3A_2, %dma_start3A_119] : memref<2x10112x128xf32, #tpu.memory_space<hbm>> -> memref<1x632x128xf32, #tpu.memory_space<hbm>>
      %dma_start3A_121 = tpu.memref_squeeze %dma_start3A_120 : memref<1x632x128xf32, #tpu.memory_space<hbm>> -> memref<632x128xf32, #tpu.memory_space<hbm>>
      %dma_start3A_122 = arith.constant 0 : i32
      %dma_start3A_123 = tpu.memref_slice %arg8[%mul3A_2, %dma_start3A_122] : memref<10112x128xf32, #tpu.memory_space<vmem_shared>> -> memref<632x128xf32, #tpu.memory_space<vmem_shared>>
      tpu.enqueue_dma source(%dma_start3A_123 : memref<632x128xf32, #tpu.memory_space<vmem_shared>>) target(%dma_start3A_121 : memref<632x128xf32, #tpu.memory_space<hbm>>) target_semaphore(%run_scoped3A : memref<!tpu.dma_semaphore, #tpu.memory_space<semaphore_mem>>)
      %dma_wait3A_124 = arith.constant 0 : i32
      %dma_wait3A_125 = tpu.memref_slice %arg5[%arg0, %mul3A_2, %dma_wait3A_124] : memref<2x10112x128xf32, #tpu.memory_space<hbm>> -> memref<1x632x128xf32, #tpu.memory_space<hbm>>
      %dma_wait3A_126 = tpu.memref_squeeze %dma_wait3A_125 : memref<1x632x128xf32, #tpu.memory_space<hbm>> -> memref<632x128xf32, #tpu.memory_space<hbm>>
      %dma_wait3A_127 = arith.constant 0 : i32
      %dma_wait3A_128 = tpu.memref_slice %arg8[%mul3A_2, %dma_wait3A_127] : memref<10112x128xf32, #tpu.memory_space<vmem_shared>> -> memref<632x128xf32, #tpu.memory_space<vmem_shared>>
      tpu.wait_dma2 semaphore(%run_scoped3A : memref<!tpu.dma_semaphore, #tpu.memory_space<semaphore_mem>>) src(%dma_wait3A_128 : memref<632x128xf32, #tpu.memory_space<vmem_shared>>) dst(%dma_wait3A_126 : memref<632x128xf32, #tpu.memory_space<hbm>>)
      tpu.yield
    }) : () -> ()
    return
  }
}

#map = affine_map<(d0, d1) -> (0, 0)>
#map1 = affine_map<(d0, d1) -> (0, 0, 0)>
module attributes {stable_mosaic.version = 14 : i64} {
  func.func @seg_kernel(%arg0: i32, %arg1: i32, %arg2: memref<10000x128xf32, #tpu.memory_space<hbm>>, %arg3: memref<1024x4x80xi32, #tpu.memory_space<hbm>>, %arg4: memref<1024x4x80xi32, #tpu.memory_space<hbm>>, %arg5: memref<632x128xf32, #tpu.memory_space<hbm>>, %arg6: memref<2x10112x128xf32, #tpu.memory_space<hbm>>, %arg7: memref<4x80xi32, #tpu.memory_space<vmem>>, %arg8: memref<4x80xi32, #tpu.memory_space<vmem>>, %arg9: memref<4x80xi32, #tpu.memory_space<vmem>>, %arg10: memref<4x80xi32, #tpu.memory_space<vmem>>, %arg11: memref<80x128xf32, #tpu.memory_space<vmem>>, %arg12: memref<80x128xf32, #tpu.memory_space<vmem>>, %arg13: memref<80x128xf32, #tpu.memory_space<vmem>>, %arg14: memref<80x128xf32, #tpu.memory_space<vmem>>, %arg15: memref<10112x128xf32, #tpu.memory_space<vmem_shared>>, %arg16: memref<!tpu.dma_semaphore, #tpu.memory_space<semaphore_mem>>, %arg17: memref<!tpu.dma_semaphore, #tpu.memory_space<semaphore_mem>>, %arg18: memref<!tpu.dma_semaphore, #tpu.memory_space<semaphore_mem>>, %arg19: memref<!tpu.dma_semaphore, #tpu.memory_space<semaphore_mem>>, %arg20: memref<!tpu.dma_semaphore, #tpu.memory_space<semaphore_mem>>, %arg21: memref<!tpu.dma_semaphore, #tpu.memory_space<semaphore_mem>>, %arg22: memref<!tpu.dma_semaphore, #tpu.memory_space<semaphore_mem>>, %arg23: memref<!tpu.dma_semaphore, #tpu.memory_space<semaphore_mem>>, %arg24: memref<!tpu.dma_semaphore, #tpu.memory_space<semaphore_mem>>, %arg25: memref<!tpu.dma_semaphore, #tpu.memory_space<semaphore_mem>>) attributes {dimension_semantics = [#tpu.dimension_semantics<core_parallel>, #tpu.dimension_semantics<subcore_parallel>], iteration_bounds = array<i64: 2, 16>, scalar_prefetch = 0 : i64, scratch_operands = 19 : i64, tpu.core_type = #tpu.core_type<sc_vector_subcore>, window_params = [{transform_indices = #map}, {transform_indices = #map1}, {transform_indices = #map1}, {transform_indices = #map}, {transform_indices = #map1}]} {
    %mul3A = arith.constant 632 : i32
    %mul3A_0 = arith.muli %arg1, %mul3A : i32
    %mul3A_1 = arith.constant 16 : i32
    %mul3A_2 = arith.muli %arg0, %mul3A_1 : i32
    %add3A = arith.addi %mul3A_2, %arg1 : i32
    %mul3A_3 = arith.constant 32 : i32
    %mul3A_4 = arith.muli %add3A, %mul3A_3 : i32
    %add3A_5 = arith.constant 0 : i32
    %add3A_6 = arith.addi %mul3A_4, %add3A_5 : i32
    %dma_start3A = arith.constant 0 : i32
    %dma_start3A_7 = arith.constant 0 : i32
    %dma_start3A_8 = tpu.memref_slice %arg3[%add3A_6, %dma_start3A, %dma_start3A_7] : memref<1024x4x80xi32, #tpu.memory_space<hbm>> -> memref<1x4x80xi32, #tpu.memory_space<hbm>>
    %dma_start3A_9 = tpu.memref_squeeze %dma_start3A_8 : memref<1x4x80xi32, #tpu.memory_space<hbm>> -> memref<4x80xi32, #tpu.memory_space<hbm>>
    %dma_start3A_10 = arith.constant 0 : i32
    %dma_start3A_11 = arith.constant 0 : i32
    %dma_start3A_12 = tpu.memref_slice %arg3[%add3A_6, %dma_start3A_10, %dma_start3A_11] : memref<1024x4x80xi32, #tpu.memory_space<hbm>> -> memref<1x4x80xi32, #tpu.memory_space<hbm>>
    %dma_start3A_13 = tpu.memref_squeeze %dma_start3A_12 : memref<1x4x80xi32, #tpu.memory_space<hbm>> -> memref<4x80xi32, #tpu.memory_space<hbm>>
    tpu.enqueue_dma source(%dma_start3A_13 : memref<4x80xi32, #tpu.memory_space<hbm>>) target(%arg7 : memref<4x80xi32, #tpu.memory_space<vmem>>) target_semaphore(%arg16 : memref<!tpu.dma_semaphore, #tpu.memory_space<semaphore_mem>>)
    %add3A_14 = arith.constant 0 : i32
    %add3A_15 = arith.addi %mul3A_4, %add3A_14 : i32
    %dma_start3A_16 = arith.constant 0 : i32
    %dma_start3A_17 = arith.constant 0 : i32
    %dma_start3A_18 = tpu.memref_slice %arg4[%add3A_15, %dma_start3A_16, %dma_start3A_17] : memref<1024x4x80xi32, #tpu.memory_space<hbm>> -> memref<1x4x80xi32, #tpu.memory_space<hbm>>
    %dma_start3A_19 = tpu.memref_squeeze %dma_start3A_18 : memref<1x4x80xi32, #tpu.memory_space<hbm>> -> memref<4x80xi32, #tpu.memory_space<hbm>>
    %dma_start3A_20 = arith.constant 0 : i32
    %dma_start3A_21 = arith.constant 0 : i32
    %dma_start3A_22 = tpu.memref_slice %arg4[%add3A_15, %dma_start3A_20, %dma_start3A_21] : memref<1024x4x80xi32, #tpu.memory_space<hbm>> -> memref<1x4x80xi32, #tpu.memory_space<hbm>>
    %dma_start3A_23 = tpu.memref_squeeze %dma_start3A_22 : memref<1x4x80xi32, #tpu.memory_space<hbm>> -> memref<4x80xi32, #tpu.memory_space<hbm>>
    tpu.enqueue_dma source(%dma_start3A_23 : memref<4x80xi32, #tpu.memory_space<hbm>>) target(%arg9 : memref<4x80xi32, #tpu.memory_space<vmem>>) target_semaphore(%arg16 : memref<!tpu.dma_semaphore, #tpu.memory_space<semaphore_mem>>)
    "tpu.region"() ({
      %run_scoped3A = tpu.sem_alloc : memref<!tpu.dma_semaphore, #tpu.memory_space<semaphore_mem>>
      %dma_start3A_305 = arith.constant 0 : i32
      %dma_start3A_306 = tpu.memref_slice %arg15[%mul3A_0, %dma_start3A_305] : memref<10112x128xf32, #tpu.memory_space<vmem_shared>> -> memref<632x128xf32, #tpu.memory_space<vmem_shared>>
      tpu.enqueue_dma source(%arg5 : memref<632x128xf32, #tpu.memory_space<hbm>>) target(%dma_start3A_306 : memref<632x128xf32, #tpu.memory_space<vmem_shared>>) target_semaphore(%run_scoped3A : memref<!tpu.dma_semaphore, #tpu.memory_space<semaphore_mem>>)
      %dma_wait3A_307 = arith.constant 0 : i32
      %dma_wait3A_308 = tpu.memref_slice %arg15[%mul3A_0, %dma_wait3A_307] : memref<10112x128xf32, #tpu.memory_space<vmem_shared>> -> memref<632x128xf32, #tpu.memory_space<vmem_shared>>
      tpu.wait_dma2 semaphore(%run_scoped3A : memref<!tpu.dma_semaphore, #tpu.memory_space<semaphore_mem>>) src(%arg5 : memref<632x128xf32, #tpu.memory_space<hbm>>) dst(%dma_wait3A_308 : memref<632x128xf32, #tpu.memory_space<vmem_shared>>)
      tpu.yield
    }) : () -> ()
    %barrier3A = arith.constant 0 : index
    tpu.barrier barrier_id(%barrier3A)
    %dma_wait3A = arith.constant 0 : i32
    %dma_wait3A_24 = arith.constant 0 : i32
    %dma_wait3A_25 = tpu.memref_slice %arg3[%mul3A_4, %dma_wait3A, %dma_wait3A_24] : memref<1024x4x80xi32, #tpu.memory_space<hbm>> -> memref<1x4x80xi32, #tpu.memory_space<hbm>>
    %dma_wait3A_26 = tpu.memref_squeeze %dma_wait3A_25 : memref<1x4x80xi32, #tpu.memory_space<hbm>> -> memref<4x80xi32, #tpu.memory_space<hbm>>
    %dma_wait3A_27 = arith.constant 0 : i32
    %dma_wait3A_28 = arith.constant 0 : i32
    %dma_wait3A_29 = tpu.memref_slice %arg3[%mul3A_4, %dma_wait3A_27, %dma_wait3A_28] : memref<1024x4x80xi32, #tpu.memory_space<hbm>> -> memref<1x4x80xi32, #tpu.memory_space<hbm>>
    %dma_wait3A_30 = tpu.memref_squeeze %dma_wait3A_29 : memref<1x4x80xi32, #tpu.memory_space<hbm>> -> memref<4x80xi32, #tpu.memory_space<hbm>>
    tpu.wait_dma2 semaphore(%arg16 : memref<!tpu.dma_semaphore, #tpu.memory_space<semaphore_mem>>) src(%dma_wait3A_30 : memref<4x80xi32, #tpu.memory_space<hbm>>) dst(%arg7 : memref<4x80xi32, #tpu.memory_space<vmem>>)
    %dma_wait3A_31 = arith.constant 0 : i32
    %dma_wait3A_32 = arith.constant 0 : i32
    %dma_wait3A_33 = tpu.memref_slice %arg3[%mul3A_4, %dma_wait3A_31, %dma_wait3A_32] : memref<1024x4x80xi32, #tpu.memory_space<hbm>> -> memref<1x4x80xi32, #tpu.memory_space<hbm>>
    %dma_wait3A_34 = tpu.memref_squeeze %dma_wait3A_33 : memref<1x4x80xi32, #tpu.memory_space<hbm>> -> memref<4x80xi32, #tpu.memory_space<hbm>>
    %dma_wait3A_35 = arith.constant 0 : i32
    %dma_wait3A_36 = arith.constant 0 : i32
    %dma_wait3A_37 = tpu.memref_slice %arg3[%mul3A_4, %dma_wait3A_35, %dma_wait3A_36] : memref<1024x4x80xi32, #tpu.memory_space<hbm>> -> memref<1x4x80xi32, #tpu.memory_space<hbm>>
    %dma_wait3A_38 = tpu.memref_squeeze %dma_wait3A_37 : memref<1x4x80xi32, #tpu.memory_space<hbm>> -> memref<4x80xi32, #tpu.memory_space<hbm>>
    tpu.wait_dma2 semaphore(%arg16 : memref<!tpu.dma_semaphore, #tpu.memory_space<semaphore_mem>>) src(%dma_wait3A_38 : memref<4x80xi32, #tpu.memory_space<hbm>>) dst(%arg9 : memref<4x80xi32, #tpu.memory_space<vmem>>)
    %dma_start3A_39 = arith.constant 0 : i32
    %dma_start3A_40 = arith.constant 0 : i32
    %dma_start3A_41 = tpu.memref_slice %arg7[%dma_start3A_39, %dma_start3A_40] : memref<4x80xi32, #tpu.memory_space<vmem>> -> memref<1x80xi32, #tpu.memory_space<vmem>>
    %dma_start3A_42 = tpu.memref_squeeze %dma_start3A_41 : memref<1x80xi32, #tpu.memory_space<vmem>> -> memref<80xi32, #tpu.memory_space<vmem>>
    %dma_start3A_43 = arith.constant 0 : i32
    %dma_start3A_44 = arith.constant 0 : i32
    %dma_start3A_45 = tpu.memref_slice %arg2[%dma_start3A_43, %dma_start3A_44] : memref<10000x128xf32, #tpu.memory_space<hbm>> -> memref<10000x128xf32, #tpu.memory_space<hbm>>
    tpu.enqueue_indirect_dma source(%dma_start3A_45 : memref<10000x128xf32, #tpu.memory_space<hbm>>) target(%arg11 : memref<80x128xf32, #tpu.memory_space<vmem>>) offsets(%dma_start3A_42 : memref<80xi32, #tpu.memory_space<vmem>>) semaphore(%arg18 : memref<!tpu.dma_semaphore, #tpu.memory_space<semaphore_mem>>)
    %dma_start3A_46 = arith.constant 1 : i32
    %dma_start3A_47 = arith.constant 0 : i32
    %dma_start3A_48 = tpu.memref_slice %arg7[%dma_start3A_46, %dma_start3A_47] : memref<4x80xi32, #tpu.memory_space<vmem>> -> memref<1x80xi32, #tpu.memory_space<vmem>>
    %dma_start3A_49 = tpu.memref_squeeze %dma_start3A_48 : memref<1x80xi32, #tpu.memory_space<vmem>> -> memref<80xi32, #tpu.memory_space<vmem>>
    %dma_start3A_50 = arith.constant 0 : i32
    %dma_start3A_51 = arith.constant 0 : i32
    %dma_start3A_52 = tpu.memref_slice %arg2[%dma_start3A_50, %dma_start3A_51] : memref<10000x128xf32, #tpu.memory_space<hbm>> -> memref<10000x128xf32, #tpu.memory_space<hbm>>
    tpu.enqueue_indirect_dma source(%dma_start3A_52 : memref<10000x128xf32, #tpu.memory_space<hbm>>) target(%arg12 : memref<80x128xf32, #tpu.memory_space<vmem>>) offsets(%dma_start3A_49 : memref<80xi32, #tpu.memory_space<vmem>>) semaphore(%arg19 : memref<!tpu.dma_semaphore, #tpu.memory_space<semaphore_mem>>)
    %dma_start3A_53 = arith.constant 2 : i32
    %dma_start3A_54 = arith.constant 0 : i32
    %dma_start3A_55 = tpu.memref_slice %arg7[%dma_start3A_53, %dma_start3A_54] : memref<4x80xi32, #tpu.memory_space<vmem>> -> memref<1x80xi32, #tpu.memory_space<vmem>>
    %dma_start3A_56 = tpu.memref_squeeze %dma_start3A_55 : memref<1x80xi32, #tpu.memory_space<vmem>> -> memref<80xi32, #tpu.memory_space<vmem>>
    %dma_start3A_57 = arith.constant 0 : i32
    %dma_start3A_58 = arith.constant 0 : i32
    %dma_start3A_59 = tpu.memref_slice %arg2[%dma_start3A_57, %dma_start3A_58] : memref<10000x128xf32, #tpu.memory_space<hbm>> -> memref<10000x128xf32, #tpu.memory_space<hbm>>
    tpu.enqueue_indirect_dma source(%dma_start3A_59 : memref<10000x128xf32, #tpu.memory_space<hbm>>) target(%arg13 : memref<80x128xf32, #tpu.memory_space<vmem>>) offsets(%dma_start3A_56 : memref<80xi32, #tpu.memory_space<vmem>>) semaphore(%arg20 : memref<!tpu.dma_semaphore, #tpu.memory_space<semaphore_mem>>)
    %dma_start3A_60 = arith.constant 3 : i32
    %dma_start3A_61 = arith.constant 0 : i32
    %dma_start3A_62 = tpu.memref_slice %arg7[%dma_start3A_60, %dma_start3A_61] : memref<4x80xi32, #tpu.memory_space<vmem>> -> memref<1x80xi32, #tpu.memory_space<vmem>>
    %dma_start3A_63 = tpu.memref_squeeze %dma_start3A_62 : memref<1x80xi32, #tpu.memory_space<vmem>> -> memref<80xi32, #tpu.memory_space<vmem>>
    %dma_start3A_64 = arith.constant 0 : i32
    %dma_start3A_65 = arith.constant 0 : i32
    %dma_start3A_66 = tpu.memref_slice %arg2[%dma_start3A_64, %dma_start3A_65] : memref<10000x128xf32, #tpu.memory_space<hbm>> -> memref<10000x128xf32, #tpu.memory_space<hbm>>
    tpu.enqueue_indirect_dma source(%dma_start3A_66 : memref<10000x128xf32, #tpu.memory_space<hbm>>) target(%arg14 : memref<80x128xf32, #tpu.memory_space<vmem>>) offsets(%dma_start3A_63 : memref<80xi32, #tpu.memory_space<vmem>>) semaphore(%arg21 : memref<!tpu.dma_semaphore, #tpu.memory_space<semaphore_mem>>)
    %scan3A = arith.constant 0 : i32
    %scan3A_67 = arith.constant 0 : i32
    %scan3A_68 = arith.constant 15 : i32
    %scan3A_69 = arith.addi %scan3A_67, %scan3A_68 : i32
    %scan3A_70 = arith.constant 1 : i32
    scf.for %scan3A_305 = %scan3A_67 to %scan3A_69 step %scan3A_70  : i32 {
      %mul3A_306 = arith.constant 2 : i32
      %mul3A_307 = arith.muli %mul3A_306, %scan3A_305 : i32
      %add3A_308 = arith.constant 1 : i32
      %add3A_309 = arith.addi %mul3A_307, %add3A_308 : i32
      %add3A_310 = arith.addi %mul3A_4, %add3A_309 : i32
      %dma_start3A_311 = arith.constant 0 : i32
      %dma_start3A_312 = arith.constant 0 : i32
      %dma_start3A_313 = tpu.memref_slice %arg3[%add3A_310, %dma_start3A_311, %dma_start3A_312] : memref<1024x4x80xi32, #tpu.memory_space<hbm>> -> memref<1x4x80xi32, #tpu.memory_space<hbm>>
      %dma_start3A_314 = tpu.memref_squeeze %dma_start3A_313 : memref<1x4x80xi32, #tpu.memory_space<hbm>> -> memref<4x80xi32, #tpu.memory_space<hbm>>
      %dma_start3A_315 = arith.constant 0 : i32
      %dma_start3A_316 = arith.constant 0 : i32
      %dma_start3A_317 = tpu.memref_slice %arg3[%add3A_310, %dma_start3A_315, %dma_start3A_316] : memref<1024x4x80xi32, #tpu.memory_space<hbm>> -> memref<1x4x80xi32, #tpu.memory_space<hbm>>
      %dma_start3A_318 = tpu.memref_squeeze %dma_start3A_317 : memref<1x4x80xi32, #tpu.memory_space<hbm>> -> memref<4x80xi32, #tpu.memory_space<hbm>>
      tpu.enqueue_dma source(%dma_start3A_318 : memref<4x80xi32, #tpu.memory_space<hbm>>) target(%arg8 : memref<4x80xi32, #tpu.memory_space<vmem>>) target_semaphore(%arg17 : memref<!tpu.dma_semaphore, #tpu.memory_space<semaphore_mem>>)
      %add3A_319 = arith.addi %mul3A_4, %add3A_309 : i32
      %dma_start3A_320 = arith.constant 0 : i32
      %dma_start3A_321 = arith.constant 0 : i32
      %dma_start3A_322 = tpu.memref_slice %arg4[%add3A_319, %dma_start3A_320, %dma_start3A_321] : memref<1024x4x80xi32, #tpu.memory_space<hbm>> -> memref<1x4x80xi32, #tpu.memory_space<hbm>>
      %dma_start3A_323 = tpu.memref_squeeze %dma_start3A_322 : memref<1x4x80xi32, #tpu.memory_space<hbm>> -> memref<4x80xi32, #tpu.memory_space<hbm>>
      %dma_start3A_324 = arith.constant 0 : i32
      %dma_start3A_325 = arith.constant 0 : i32
      %dma_start3A_326 = tpu.memref_slice %arg4[%add3A_319, %dma_start3A_324, %dma_start3A_325] : memref<1024x4x80xi32, #tpu.memory_space<hbm>> -> memref<1x4x80xi32, #tpu.memory_space<hbm>>
      %dma_start3A_327 = tpu.memref_squeeze %dma_start3A_326 : memref<1x4x80xi32, #tpu.memory_space<hbm>> -> memref<4x80xi32, #tpu.memory_space<hbm>>
      tpu.enqueue_dma source(%dma_start3A_327 : memref<4x80xi32, #tpu.memory_space<hbm>>) target(%arg10 : memref<4x80xi32, #tpu.memory_space<vmem>>) target_semaphore(%arg17 : memref<!tpu.dma_semaphore, #tpu.memory_space<semaphore_mem>>)
      %dma_wait3A_328 = arith.constant 0 : i32
      %dma_wait3A_329 = arith.constant 0 : i32
      %dma_wait3A_330 = tpu.memref_slice %arg7[%dma_wait3A_328, %dma_wait3A_329] : memref<4x80xi32, #tpu.memory_space<vmem>> -> memref<1x80xi32, #tpu.memory_space<vmem>>
      %dma_wait3A_331 = tpu.memref_squeeze %dma_wait3A_330 : memref<1x80xi32, #tpu.memory_space<vmem>> -> memref<80xi32, #tpu.memory_space<vmem>>
      %dma_wait3A_332 = arith.constant 0 : i32
      %dma_wait3A_333 = arith.constant 0 : i32
      %dma_wait3A_334 = tpu.memref_slice %arg2[%dma_wait3A_332, %dma_wait3A_333] : memref<10000x128xf32, #tpu.memory_space<hbm>> -> memref<10000x128xf32, #tpu.memory_space<hbm>>
      tpu.wait_indirect_dma semaphore(%arg18 : memref<!tpu.dma_semaphore, #tpu.memory_space<semaphore_mem>>) src(%dma_wait3A_334 : memref<10000x128xf32, #tpu.memory_space<hbm>>) dst(%arg11 : memref<80x128xf32, #tpu.memory_space<vmem>>)
      %dma_start3A_335 = arith.constant 0 : i32
      %dma_start3A_336 = arith.constant 0 : i32
      %dma_start3A_337 = tpu.memref_slice %arg9[%dma_start3A_335, %dma_start3A_336] : memref<4x80xi32, #tpu.memory_space<vmem>> -> memref<1x80xi32, #tpu.memory_space<vmem>>
      %dma_start3A_338 = tpu.memref_squeeze %dma_start3A_337 : memref<1x80xi32, #tpu.memory_space<vmem>> -> memref<80xi32, #tpu.memory_space<vmem>>
      %dma_start3A_339 = arith.constant 0 : i32
      %dma_start3A_340 = arith.constant 0 : i32
      %dma_start3A_341 = tpu.memref_slice %arg15[%dma_start3A_339, %dma_start3A_340] : memref<10112x128xf32, #tpu.memory_space<vmem_shared>> -> memref<10112x128xf32, #tpu.memory_space<vmem_shared>>
      tpu.enqueue_indirect_dma source(%arg11 : memref<80x128xf32, #tpu.memory_space<vmem>>) target(%dma_start3A_341 : memref<10112x128xf32, #tpu.memory_space<vmem_shared>>) offsets(%dma_start3A_338 : memref<80xi32, #tpu.memory_space<vmem>>) semaphore(%arg22 : memref<!tpu.dma_semaphore, #tpu.memory_space<semaphore_mem>>) {add = true}
      %dma_wait3A_342 = arith.constant 1 : i32
      %dma_wait3A_343 = arith.constant 0 : i32
      %dma_wait3A_344 = tpu.memref_slice %arg7[%dma_wait3A_342, %dma_wait3A_343] : memref<4x80xi32, #tpu.memory_space<vmem>> -> memref<1x80xi32, #tpu.memory_space<vmem>>
      %dma_wait3A_345 = tpu.memref_squeeze %dma_wait3A_344 : memref<1x80xi32, #tpu.memory_space<vmem>> -> memref<80xi32, #tpu.memory_space<vmem>>
      %dma_wait3A_346 = arith.constant 0 : i32
      %dma_wait3A_347 = arith.constant 0 : i32
      %dma_wait3A_348 = tpu.memref_slice %arg2[%dma_wait3A_346, %dma_wait3A_347] : memref<10000x128xf32, #tpu.memory_space<hbm>> -> memref<10000x128xf32, #tpu.memory_space<hbm>>
      tpu.wait_indirect_dma semaphore(%arg19 : memref<!tpu.dma_semaphore, #tpu.memory_space<semaphore_mem>>) src(%dma_wait3A_348 : memref<10000x128xf32, #tpu.memory_space<hbm>>) dst(%arg12 : memref<80x128xf32, #tpu.memory_space<vmem>>)
      %dma_start3A_349 = arith.constant 1 : i32
      %dma_start3A_350 = arith.constant 0 : i32
      %dma_start3A_351 = tpu.memref_slice %arg9[%dma_start3A_349, %dma_start3A_350] : memref<4x80xi32, #tpu.memory_space<vmem>> -> memref<1x80xi32, #tpu.memory_space<vmem>>
      %dma_start3A_352 = tpu.memref_squeeze %dma_start3A_351 : memref<1x80xi32, #tpu.memory_space<vmem>> -> memref<80xi32, #tpu.memory_space<vmem>>
      %dma_start3A_353 = arith.constant 0 : i32
      %dma_start3A_354 = arith.constant 0 : i32
      %dma_start3A_355 = tpu.memref_slice %arg15[%dma_start3A_353, %dma_start3A_354] : memref<10112x128xf32, #tpu.memory_space<vmem_shared>> -> memref<10112x128xf32, #tpu.memory_space<vmem_shared>>
      tpu.enqueue_indirect_dma source(%arg12 : memref<80x128xf32, #tpu.memory_space<vmem>>) target(%dma_start3A_355 : memref<10112x128xf32, #tpu.memory_space<vmem_shared>>) offsets(%dma_start3A_352 : memref<80xi32, #tpu.memory_space<vmem>>) semaphore(%arg23 : memref<!tpu.dma_semaphore, #tpu.memory_space<semaphore_mem>>) {add = true}
      %dma_wait3A_356 = arith.constant 2 : i32
      %dma_wait3A_357 = arith.constant 0 : i32
      %dma_wait3A_358 = tpu.memref_slice %arg7[%dma_wait3A_356, %dma_wait3A_357] : memref<4x80xi32, #tpu.memory_space<vmem>> -> memref<1x80xi32, #tpu.memory_space<vmem>>
      %dma_wait3A_359 = tpu.memref_squeeze %dma_wait3A_358 : memref<1x80xi32, #tpu.memory_space<vmem>> -> memref<80xi32, #tpu.memory_space<vmem>>
      %dma_wait3A_360 = arith.constant 0 : i32
      %dma_wait3A_361 = arith.constant 0 : i32
      %dma_wait3A_362 = tpu.memref_slice %arg2[%dma_wait3A_360, %dma_wait3A_361] : memref<10000x128xf32, #tpu.memory_space<hbm>> -> memref<10000x128xf32, #tpu.memory_space<hbm>>
      tpu.wait_indirect_dma semaphore(%arg20 : memref<!tpu.dma_semaphore, #tpu.memory_space<semaphore_mem>>) src(%dma_wait3A_362 : memref<10000x128xf32, #tpu.memory_space<hbm>>) dst(%arg13 : memref<80x128xf32, #tpu.memory_space<vmem>>)
      %dma_start3A_363 = arith.constant 2 : i32
      %dma_start3A_364 = arith.constant 0 : i32
      %dma_start3A_365 = tpu.memref_slice %arg9[%dma_start3A_363, %dma_start3A_364] : memref<4x80xi32, #tpu.memory_space<vmem>> -> memref<1x80xi32, #tpu.memory_space<vmem>>
      %dma_start3A_366 = tpu.memref_squeeze %dma_start3A_365 : memref<1x80xi32, #tpu.memory_space<vmem>> -> memref<80xi32, #tpu.memory_space<vmem>>
      %dma_start3A_367 = arith.constant 0 : i32
      %dma_start3A_368 = arith.constant 0 : i32
      %dma_start3A_369 = tpu.memref_slice %arg15[%dma_start3A_367, %dma_start3A_368] : memref<10112x128xf32, #tpu.memory_space<vmem_shared>> -> memref<10112x128xf32, #tpu.memory_space<vmem_shared>>
      tpu.enqueue_indirect_dma source(%arg13 : memref<80x128xf32, #tpu.memory_space<vmem>>) target(%dma_start3A_369 : memref<10112x128xf32, #tpu.memory_space<vmem_shared>>) offsets(%dma_start3A_366 : memref<80xi32, #tpu.memory_space<vmem>>) semaphore(%arg24 : memref<!tpu.dma_semaphore, #tpu.memory_space<semaphore_mem>>) {add = true}
      %dma_wait3A_370 = arith.constant 3 : i32
      %dma_wait3A_371 = arith.constant 0 : i32
      %dma_wait3A_372 = tpu.memref_slice %arg7[%dma_wait3A_370, %dma_wait3A_371] : memref<4x80xi32, #tpu.memory_space<vmem>> -> memref<1x80xi32, #tpu.memory_space<vmem>>
      %dma_wait3A_373 = tpu.memref_squeeze %dma_wait3A_372 : memref<1x80xi32, #tpu.memory_space<vmem>> -> memref<80xi32, #tpu.memory_space<vmem>>
      %dma_wait3A_374 = arith.constant 0 : i32
      %dma_wait3A_375 = arith.constant 0 : i32
      %dma_wait3A_376 = tpu.memref_slice %arg2[%dma_wait3A_374, %dma_wait3A_375] : memref<10000x128xf32, #tpu.memory_space<hbm>> -> memref<10000x128xf32, #tpu.memory_space<hbm>>
      tpu.wait_indirect_dma semaphore(%arg21 : memref<!tpu.dma_semaphore, #tpu.memory_space<semaphore_mem>>) src(%dma_wait3A_376 : memref<10000x128xf32, #tpu.memory_space<hbm>>) dst(%arg14 : memref<80x128xf32, #tpu.memory_space<vmem>>)
      %dma_start3A_377 = arith.constant 3 : i32
      %dma_start3A_378 = arith.constant 0 : i32
      %dma_start3A_379 = tpu.memref_slice %arg9[%dma_start3A_377, %dma_start3A_378] : memref<4x80xi32, #tpu.memory_space<vmem>> -> memref<1x80xi32, #tpu.memory_space<vmem>>
      %dma_start3A_380 = tpu.memref_squeeze %dma_start3A_379 : memref<1x80xi32, #tpu.memory_space<vmem>> -> memref<80xi32, #tpu.memory_space<vmem>>
      %dma_start3A_381 = arith.constant 0 : i32
      %dma_start3A_382 = arith.constant 0 : i32
      %dma_start3A_383 = tpu.memref_slice %arg15[%dma_start3A_381, %dma_start3A_382] : memref<10112x128xf32, #tpu.memory_space<vmem_shared>> -> memref<10112x128xf32, #tpu.memory_space<vmem_shared>>
      tpu.enqueue_indirect_dma source(%arg14 : memref<80x128xf32, #tpu.memory_space<vmem>>) target(%dma_start3A_383 : memref<10112x128xf32, #tpu.memory_space<vmem_shared>>) offsets(%dma_start3A_380 : memref<80xi32, #tpu.memory_space<vmem>>) semaphore(%arg25 : memref<!tpu.dma_semaphore, #tpu.memory_space<semaphore_mem>>) {add = true}
      %dma_wait3A_384 = arith.constant 0 : i32
      %dma_wait3A_385 = arith.constant 0 : i32
      %dma_wait3A_386 = tpu.memref_slice %arg3[%mul3A_4, %dma_wait3A_384, %dma_wait3A_385] : memref<1024x4x80xi32, #tpu.memory_space<hbm>> -> memref<1x4x80xi32, #tpu.memory_space<hbm>>
      %dma_wait3A_387 = tpu.memref_squeeze %dma_wait3A_386 : memref<1x4x80xi32, #tpu.memory_space<hbm>> -> memref<4x80xi32, #tpu.memory_space<hbm>>
      %dma_wait3A_388 = arith.constant 0 : i32
      %dma_wait3A_389 = arith.constant 0 : i32
      %dma_wait3A_390 = tpu.memref_slice %arg3[%mul3A_4, %dma_wait3A_388, %dma_wait3A_389] : memref<1024x4x80xi32, #tpu.memory_space<hbm>> -> memref<1x4x80xi32, #tpu.memory_space<hbm>>
      %dma_wait3A_391 = tpu.memref_squeeze %dma_wait3A_390 : memref<1x4x80xi32, #tpu.memory_space<hbm>> -> memref<4x80xi32, #tpu.memory_space<hbm>>
      tpu.wait_dma2 semaphore(%arg17 : memref<!tpu.dma_semaphore, #tpu.memory_space<semaphore_mem>>) src(%dma_wait3A_391 : memref<4x80xi32, #tpu.memory_space<hbm>>) dst(%arg8 : memref<4x80xi32, #tpu.memory_space<vmem>>)
      %dma_wait3A_392 = arith.constant 0 : i32
      %dma_wait3A_393 = arith.constant 0 : i32
      %dma_wait3A_394 = tpu.memref_slice %arg3[%mul3A_4, %dma_wait3A_392, %dma_wait3A_393] : memref<1024x4x80xi32, #tpu.memory_space<hbm>> -> memref<1x4x80xi32, #tpu.memory_space<hbm>>
      %dma_wait3A_395 = tpu.memref_squeeze %dma_wait3A_394 : memref<1x4x80xi32, #tpu.memory_space<hbm>> -> memref<4x80xi32, #tpu.memory_space<hbm>>
      %dma_wait3A_396 = arith.constant 0 : i32
      %dma_wait3A_397 = arith.constant 0 : i32
      %dma_wait3A_398 = tpu.memref_slice %arg3[%mul3A_4, %dma_wait3A_396, %dma_wait3A_397] : memref<1024x4x80xi32, #tpu.memory_space<hbm>> -> memref<1x4x80xi32, #tpu.memory_space<hbm>>
      %dma_wait3A_399 = tpu.memref_squeeze %dma_wait3A_398 : memref<1x4x80xi32, #tpu.memory_space<hbm>> -> memref<4x80xi32, #tpu.memory_space<hbm>>
      tpu.wait_dma2 semaphore(%arg17 : memref<!tpu.dma_semaphore, #tpu.memory_space<semaphore_mem>>) src(%dma_wait3A_399 : memref<4x80xi32, #tpu.memory_space<hbm>>) dst(%arg10 : memref<4x80xi32, #tpu.memory_space<vmem>>)
      %dma_wait3A_400 = arith.constant 0 : i32
      %dma_wait3A_401 = arith.constant 0 : i32
      %dma_wait3A_402 = tpu.memref_slice %arg9[%dma_wait3A_400, %dma_wait3A_401] : memref<4x80xi32, #tpu.memory_space<vmem>> -> memref<1x80xi32, #tpu.memory_space<vmem>>
      %dma_wait3A_403 = tpu.memref_squeeze %dma_wait3A_402 : memref<1x80xi32, #tpu.memory_space<vmem>> -> memref<80xi32, #tpu.memory_space<vmem>>
      %dma_wait3A_404 = arith.constant 0 : i32
      %dma_wait3A_405 = arith.constant 0 : i32
      %dma_wait3A_406 = tpu.memref_slice %arg15[%dma_wait3A_404, %dma_wait3A_405] : memref<10112x128xf32, #tpu.memory_space<vmem_shared>> -> memref<10112x128xf32, #tpu.memory_space<vmem_shared>>
      tpu.wait_indirect_dma semaphore(%arg22 : memref<!tpu.dma_semaphore, #tpu.memory_space<semaphore_mem>>) src(%arg11 : memref<80x128xf32, #tpu.memory_space<vmem>>) dst(%dma_wait3A_406 : memref<10112x128xf32, #tpu.memory_space<vmem_shared>>)
      %dma_start3A_407 = arith.constant 0 : i32
      %dma_start3A_408 = arith.constant 0 : i32
      %dma_start3A_409 = tpu.memref_slice %arg8[%dma_start3A_407, %dma_start3A_408] : memref<4x80xi32, #tpu.memory_space<vmem>> -> memref<1x80xi32, #tpu.memory_space<vmem>>
      %dma_start3A_410 = tpu.memref_squeeze %dma_start3A_409 : memref<1x80xi32, #tpu.memory_space<vmem>> -> memref<80xi32, #tpu.memory_space<vmem>>
      %dma_start3A_411 = arith.constant 0 : i32
      %dma_start3A_412 = arith.constant 0 : i32
      %dma_start3A_413 = tpu.memref_slice %arg2[%dma_start3A_411, %dma_start3A_412] : memref<10000x128xf32, #tpu.memory_space<hbm>> -> memref<10000x128xf32, #tpu.memory_space<hbm>>
      tpu.enqueue_indirect_dma source(%dma_start3A_413 : memref<10000x128xf32, #tpu.memory_space<hbm>>) target(%arg11 : memref<80x128xf32, #tpu.memory_space<vmem>>) offsets(%dma_start3A_410 : memref<80xi32, #tpu.memory_space<vmem>>) semaphore(%arg18 : memref<!tpu.dma_semaphore, #tpu.memory_space<semaphore_mem>>)
      %dma_wait3A_414 = arith.constant 1 : i32
      %dma_wait3A_415 = arith.constant 0 : i32
      %dma_wait3A_416 = tpu.memref_slice %arg9[%dma_wait3A_414, %dma_wait3A_415] : memref<4x80xi32, #tpu.memory_space<vmem>> -> memref<1x80xi32, #tpu.memory_space<vmem>>
      %dma_wait3A_417 = tpu.memref_squeeze %dma_wait3A_416 : memref<1x80xi32, #tpu.memory_space<vmem>> -> memref<80xi32, #tpu.memory_space<vmem>>
      %dma_wait3A_418 = arith.constant 0 : i32
      %dma_wait3A_419 = arith.constant 0 : i32
      %dma_wait3A_420 = tpu.memref_slice %arg15[%dma_wait3A_418, %dma_wait3A_419] : memref<10112x128xf32, #tpu.memory_space<vmem_shared>> -> memref<10112x128xf32, #tpu.memory_space<vmem_shared>>
      tpu.wait_indirect_dma semaphore(%arg23 : memref<!tpu.dma_semaphore, #tpu.memory_space<semaphore_mem>>) src(%arg12 : memref<80x128xf32, #tpu.memory_space<vmem>>) dst(%dma_wait3A_420 : memref<10112x128xf32, #tpu.memory_space<vmem_shared>>)
      %dma_start3A_421 = arith.constant 1 : i32
      %dma_start3A_422 = arith.constant 0 : i32
      %dma_start3A_423 = tpu.memref_slice %arg8[%dma_start3A_421, %dma_start3A_422] : memref<4x80xi32, #tpu.memory_space<vmem>> -> memref<1x80xi32, #tpu.memory_space<vmem>>
      %dma_start3A_424 = tpu.memref_squeeze %dma_start3A_423 : memref<1x80xi32, #tpu.memory_space<vmem>> -> memref<80xi32, #tpu.memory_space<vmem>>
      %dma_start3A_425 = arith.constant 0 : i32
      %dma_start3A_426 = arith.constant 0 : i32
      %dma_start3A_427 = tpu.memref_slice %arg2[%dma_start3A_425, %dma_start3A_426] : memref<10000x128xf32, #tpu.memory_space<hbm>> -> memref<10000x128xf32, #tpu.memory_space<hbm>>
      tpu.enqueue_indirect_dma source(%dma_start3A_427 : memref<10000x128xf32, #tpu.memory_space<hbm>>) target(%arg12 : memref<80x128xf32, #tpu.memory_space<vmem>>) offsets(%dma_start3A_424 : memref<80xi32, #tpu.memory_space<vmem>>) semaphore(%arg19 : memref<!tpu.dma_semaphore, #tpu.memory_space<semaphore_mem>>)
      %dma_wait3A_428 = arith.constant 2 : i32
      %dma_wait3A_429 = arith.constant 0 : i32
      %dma_wait3A_430 = tpu.memref_slice %arg9[%dma_wait3A_428, %dma_wait3A_429] : memref<4x80xi32, #tpu.memory_space<vmem>> -> memref<1x80xi32, #tpu.memory_space<vmem>>
      %dma_wait3A_431 = tpu.memref_squeeze %dma_wait3A_430 : memref<1x80xi32, #tpu.memory_space<vmem>> -> memref<80xi32, #tpu.memory_space<vmem>>
      %dma_wait3A_432 = arith.constant 0 : i32
      %dma_wait3A_433 = arith.constant 0 : i32
      %dma_wait3A_434 = tpu.memref_slice %arg15[%dma_wait3A_432, %dma_wait3A_433] : memref<10112x128xf32, #tpu.memory_space<vmem_shared>> -> memref<10112x128xf32, #tpu.memory_space<vmem_shared>>
      tpu.wait_indirect_dma semaphore(%arg24 : memref<!tpu.dma_semaphore, #tpu.memory_space<semaphore_mem>>) src(%arg13 : memref<80x128xf32, #tpu.memory_space<vmem>>) dst(%dma_wait3A_434 : memref<10112x128xf32, #tpu.memory_space<vmem_shared>>)
      %dma_start3A_435 = arith.constant 2 : i32
      %dma_start3A_436 = arith.constant 0 : i32
      %dma_start3A_437 = tpu.memref_slice %arg8[%dma_start3A_435, %dma_start3A_436] : memref<4x80xi32, #tpu.memory_space<vmem>> -> memref<1x80xi32, #tpu.memory_space<vmem>>
      %dma_start3A_438 = tpu.memref_squeeze %dma_start3A_437 : memref<1x80xi32, #tpu.memory_space<vmem>> -> memref<80xi32, #tpu.memory_space<vmem>>
      %dma_start3A_439 = arith.constant 0 : i32
      %dma_start3A_440 = arith.constant 0 : i32
      %dma_start3A_441 = tpu.memref_slice %arg2[%dma_start3A_439, %dma_start3A_440] : memref<10000x128xf32, #tpu.memory_space<hbm>> -> memref<10000x128xf32, #tpu.memory_space<hbm>>
      tpu.enqueue_indirect_dma source(%dma_start3A_441 : memref<10000x128xf32, #tpu.memory_space<hbm>>) target(%arg13 : memref<80x128xf32, #tpu.memory_space<vmem>>) offsets(%dma_start3A_438 : memref<80xi32, #tpu.memory_space<vmem>>) semaphore(%arg20 : memref<!tpu.dma_semaphore, #tpu.memory_space<semaphore_mem>>)
      %dma_wait3A_442 = arith.constant 3 : i32
      %dma_wait3A_443 = arith.constant 0 : i32
      %dma_wait3A_444 = tpu.memref_slice %arg9[%dma_wait3A_442, %dma_wait3A_443] : memref<4x80xi32, #tpu.memory_space<vmem>> -> memref<1x80xi32, #tpu.memory_space<vmem>>
      %dma_wait3A_445 = tpu.memref_squeeze %dma_wait3A_444 : memref<1x80xi32, #tpu.memory_space<vmem>> -> memref<80xi32, #tpu.memory_space<vmem>>
      %dma_wait3A_446 = arith.constant 0 : i32
      %dma_wait3A_447 = arith.constant 0 : i32
      %dma_wait3A_448 = tpu.memref_slice %arg15[%dma_wait3A_446, %dma_wait3A_447] : memref<10112x128xf32, #tpu.memory_space<vmem_shared>> -> memref<10112x128xf32, #tpu.memory_space<vmem_shared>>
      tpu.wait_indirect_dma semaphore(%arg25 : memref<!tpu.dma_semaphore, #tpu.memory_space<semaphore_mem>>) src(%arg14 : memref<80x128xf32, #tpu.memory_space<vmem>>) dst(%dma_wait3A_448 : memref<10112x128xf32, #tpu.memory_space<vmem_shared>>)
      %dma_start3A_449 = arith.constant 3 : i32
      %dma_start3A_450 = arith.constant 0 : i32
      %dma_start3A_451 = tpu.memref_slice %arg8[%dma_start3A_449, %dma_start3A_450] : memref<4x80xi32, #tpu.memory_space<vmem>> -> memref<1x80xi32, #tpu.memory_space<vmem>>
      %dma_start3A_452 = tpu.memref_squeeze %dma_start3A_451 : memref<1x80xi32, #tpu.memory_space<vmem>> -> memref<80xi32, #tpu.memory_space<vmem>>
      %dma_start3A_453 = arith.constant 0 : i32
      %dma_start3A_454 = arith.constant 0 : i32
      %dma_start3A_455 = tpu.memref_slice %arg2[%dma_start3A_453, %dma_start3A_454] : memref<10000x128xf32, #tpu.memory_space<hbm>> -> memref<10000x128xf32, #tpu.memory_space<hbm>>
      tpu.enqueue_indirect_dma source(%dma_start3A_455 : memref<10000x128xf32, #tpu.memory_space<hbm>>) target(%arg14 : memref<80x128xf32, #tpu.memory_space<vmem>>) offsets(%dma_start3A_452 : memref<80xi32, #tpu.memory_space<vmem>>) semaphore(%arg21 : memref<!tpu.dma_semaphore, #tpu.memory_space<semaphore_mem>>)
      %mul3A_456 = arith.constant 2 : i32
      %mul3A_457 = arith.muli %mul3A_456, %scan3A_305 : i32
      %add3A_458 = arith.constant 1 : i32
      %add3A_459 = arith.addi %mul3A_457, %add3A_458 : i32
      %add3A_460 = arith.constant 1 : i32
      %add3A_461 = arith.addi %add3A_459, %add3A_460 : i32
      %add3A_462 = arith.addi %mul3A_4, %add3A_461 : i32
      %dma_start3A_463 = arith.constant 0 : i32
      %dma_start3A_464 = arith.constant 0 : i32
      %dma_start3A_465 = tpu.memref_slice %arg3[%add3A_462, %dma_start3A_463, %dma_start3A_464] : memref<1024x4x80xi32, #tpu.memory_space<hbm>> -> memref<1x4x80xi32, #tpu.memory_space<hbm>>
      %dma_start3A_466 = tpu.memref_squeeze %dma_start3A_465 : memref<1x4x80xi32, #tpu.memory_space<hbm>> -> memref<4x80xi32, #tpu.memory_space<hbm>>
      %dma_start3A_467 = arith.constant 0 : i32
      %dma_start3A_468 = arith.constant 0 : i32
      %dma_start3A_469 = tpu.memref_slice %arg3[%add3A_462, %dma_start3A_467, %dma_start3A_468] : memref<1024x4x80xi32, #tpu.memory_space<hbm>> -> memref<1x4x80xi32, #tpu.memory_space<hbm>>
      %dma_start3A_470 = tpu.memref_squeeze %dma_start3A_469 : memref<1x4x80xi32, #tpu.memory_space<hbm>> -> memref<4x80xi32, #tpu.memory_space<hbm>>
      tpu.enqueue_dma source(%dma_start3A_470 : memref<4x80xi32, #tpu.memory_space<hbm>>) target(%arg7 : memref<4x80xi32, #tpu.memory_space<vmem>>) target_semaphore(%arg16 : memref<!tpu.dma_semaphore, #tpu.memory_space<semaphore_mem>>)
      %add3A_471 = arith.addi %mul3A_4, %add3A_461 : i32
      %dma_start3A_472 = arith.constant 0 : i32
      %dma_start3A_473 = arith.constant 0 : i32
      %dma_start3A_474 = tpu.memref_slice %arg4[%add3A_471, %dma_start3A_472, %dma_start3A_473] : memref<1024x4x80xi32, #tpu.memory_space<hbm>> -> memref<1x4x80xi32, #tpu.memory_space<hbm>>
      %dma_start3A_475 = tpu.memref_squeeze %dma_start3A_474 : memref<1x4x80xi32, #tpu.memory_space<hbm>> -> memref<4x80xi32, #tpu.memory_space<hbm>>
      %dma_start3A_476 = arith.constant 0 : i32
      %dma_start3A_477 = arith.constant 0 : i32
      %dma_start3A_478 = tpu.memref_slice %arg4[%add3A_471, %dma_start3A_476, %dma_start3A_477] : memref<1024x4x80xi32, #tpu.memory_space<hbm>> -> memref<1x4x80xi32, #tpu.memory_space<hbm>>
      %dma_start3A_479 = tpu.memref_squeeze %dma_start3A_478 : memref<1x4x80xi32, #tpu.memory_space<hbm>> -> memref<4x80xi32, #tpu.memory_space<hbm>>
      tpu.enqueue_dma source(%dma_start3A_479 : memref<4x80xi32, #tpu.memory_space<hbm>>) target(%arg9 : memref<4x80xi32, #tpu.memory_space<vmem>>) target_semaphore(%arg16 : memref<!tpu.dma_semaphore, #tpu.memory_space<semaphore_mem>>)
      %dma_wait3A_480 = arith.constant 0 : i32
      %dma_wait3A_481 = arith.constant 0 : i32
      %dma_wait3A_482 = tpu.memref_slice %arg8[%dma_wait3A_480, %dma_wait3A_481] : memref<4x80xi32, #tpu.memory_space<vmem>> -> memref<1x80xi32, #tpu.memory_space<vmem>>
      %dma_wait3A_483 = tpu.memref_squeeze %dma_wait3A_482 : memref<1x80xi32, #tpu.memory_space<vmem>> -> memref<80xi32, #tpu.memory_space<vmem>>
      %dma_wait3A_484 = arith.constant 0 : i32
      %dma_wait3A_485 = arith.constant 0 : i32
      %dma_wait3A_486 = tpu.memref_slice %arg2[%dma_wait3A_484, %dma_wait3A_485] : memref<10000x128xf32, #tpu.memory_space<hbm>> -> memref<10000x128xf32, #tpu.memory_space<hbm>>
      tpu.wait_indirect_dma semaphore(%arg18 : memref<!tpu.dma_semaphore, #tpu.memory_space<semaphore_mem>>) src(%dma_wait3A_486 : memref<10000x128xf32, #tpu.memory_space<hbm>>) dst(%arg11 : memref<80x128xf32, #tpu.memory_space<vmem>>)
      %dma_start3A_487 = arith.constant 0 : i32
      %dma_start3A_488 = arith.constant 0 : i32
      %dma_start3A_489 = tpu.memref_slice %arg10[%dma_start3A_487, %dma_start3A_488] : memref<4x80xi32, #tpu.memory_space<vmem>> -> memref<1x80xi32, #tpu.memory_space<vmem>>
      %dma_start3A_490 = tpu.memref_squeeze %dma_start3A_489 : memref<1x80xi32, #tpu.memory_space<vmem>> -> memref<80xi32, #tpu.memory_space<vmem>>
      %dma_start3A_491 = arith.constant 0 : i32
      %dma_start3A_492 = arith.constant 0 : i32
      %dma_start3A_493 = tpu.memref_slice %arg15[%dma_start3A_491, %dma_start3A_492] : memref<10112x128xf32, #tpu.memory_space<vmem_shared>> -> memref<10112x128xf32, #tpu.memory_space<vmem_shared>>
      tpu.enqueue_indirect_dma source(%arg11 : memref<80x128xf32, #tpu.memory_space<vmem>>) target(%dma_start3A_493 : memref<10112x128xf32, #tpu.memory_space<vmem_shared>>) offsets(%dma_start3A_490 : memref<80xi32, #tpu.memory_space<vmem>>) semaphore(%arg22 : memref<!tpu.dma_semaphore, #tpu.memory_space<semaphore_mem>>) {add = true}
      %dma_wait3A_494 = arith.constant 1 : i32
      %dma_wait3A_495 = arith.constant 0 : i32
      %dma_wait3A_496 = tpu.memref_slice %arg8[%dma_wait3A_494, %dma_wait3A_495] : memref<4x80xi32, #tpu.memory_space<vmem>> -> memref<1x80xi32, #tpu.memory_space<vmem>>
      %dma_wait3A_497 = tpu.memref_squeeze %dma_wait3A_496 : memref<1x80xi32, #tpu.memory_space<vmem>> -> memref<80xi32, #tpu.memory_space<vmem>>
      %dma_wait3A_498 = arith.constant 0 : i32
      %dma_wait3A_499 = arith.constant 0 : i32
      %dma_wait3A_500 = tpu.memref_slice %arg2[%dma_wait3A_498, %dma_wait3A_499] : memref<10000x128xf32, #tpu.memory_space<hbm>> -> memref<10000x128xf32, #tpu.memory_space<hbm>>
      tpu.wait_indirect_dma semaphore(%arg19 : memref<!tpu.dma_semaphore, #tpu.memory_space<semaphore_mem>>) src(%dma_wait3A_500 : memref<10000x128xf32, #tpu.memory_space<hbm>>) dst(%arg12 : memref<80x128xf32, #tpu.memory_space<vmem>>)
      %dma_start3A_501 = arith.constant 1 : i32
      %dma_start3A_502 = arith.constant 0 : i32
      %dma_start3A_503 = tpu.memref_slice %arg10[%dma_start3A_501, %dma_start3A_502] : memref<4x80xi32, #tpu.memory_space<vmem>> -> memref<1x80xi32, #tpu.memory_space<vmem>>
      %dma_start3A_504 = tpu.memref_squeeze %dma_start3A_503 : memref<1x80xi32, #tpu.memory_space<vmem>> -> memref<80xi32, #tpu.memory_space<vmem>>
      %dma_start3A_505 = arith.constant 0 : i32
      %dma_start3A_506 = arith.constant 0 : i32
      %dma_start3A_507 = tpu.memref_slice %arg15[%dma_start3A_505, %dma_start3A_506] : memref<10112x128xf32, #tpu.memory_space<vmem_shared>> -> memref<10112x128xf32, #tpu.memory_space<vmem_shared>>
      tpu.enqueue_indirect_dma source(%arg12 : memref<80x128xf32, #tpu.memory_space<vmem>>) target(%dma_start3A_507 : memref<10112x128xf32, #tpu.memory_space<vmem_shared>>) offsets(%dma_start3A_504 : memref<80xi32, #tpu.memory_space<vmem>>) semaphore(%arg23 : memref<!tpu.dma_semaphore, #tpu.memory_space<semaphore_mem>>) {add = true}
      %dma_wait3A_508 = arith.constant 2 : i32
      %dma_wait3A_509 = arith.constant 0 : i32
      %dma_wait3A_510 = tpu.memref_slice %arg8[%dma_wait3A_508, %dma_wait3A_509] : memref<4x80xi32, #tpu.memory_space<vmem>> -> memref<1x80xi32, #tpu.memory_space<vmem>>
      %dma_wait3A_511 = tpu.memref_squeeze %dma_wait3A_510 : memref<1x80xi32, #tpu.memory_space<vmem>> -> memref<80xi32, #tpu.memory_space<vmem>>
      %dma_wait3A_512 = arith.constant 0 : i32
      %dma_wait3A_513 = arith.constant 0 : i32
      %dma_wait3A_514 = tpu.memref_slice %arg2[%dma_wait3A_512, %dma_wait3A_513] : memref<10000x128xf32, #tpu.memory_space<hbm>> -> memref<10000x128xf32, #tpu.memory_space<hbm>>
      tpu.wait_indirect_dma semaphore(%arg20 : memref<!tpu.dma_semaphore, #tpu.memory_space<semaphore_mem>>) src(%dma_wait3A_514 : memref<10000x128xf32, #tpu.memory_space<hbm>>) dst(%arg13 : memref<80x128xf32, #tpu.memory_space<vmem>>)
      %dma_start3A_515 = arith.constant 2 : i32
      %dma_start3A_516 = arith.constant 0 : i32
      %dma_start3A_517 = tpu.memref_slice %arg10[%dma_start3A_515, %dma_start3A_516] : memref<4x80xi32, #tpu.memory_space<vmem>> -> memref<1x80xi32, #tpu.memory_space<vmem>>
      %dma_start3A_518 = tpu.memref_squeeze %dma_start3A_517 : memref<1x80xi32, #tpu.memory_space<vmem>> -> memref<80xi32, #tpu.memory_space<vmem>>
      %dma_start3A_519 = arith.constant 0 : i32
      %dma_start3A_520 = arith.constant 0 : i32
      %dma_start3A_521 = tpu.memref_slice %arg15[%dma_start3A_519, %dma_start3A_520] : memref<10112x128xf32, #tpu.memory_space<vmem_shared>> -> memref<10112x128xf32, #tpu.memory_space<vmem_shared>>
      tpu.enqueue_indirect_dma source(%arg13 : memref<80x128xf32, #tpu.memory_space<vmem>>) target(%dma_start3A_521 : memref<10112x128xf32, #tpu.memory_space<vmem_shared>>) offsets(%dma_start3A_518 : memref<80xi32, #tpu.memory_space<vmem>>) semaphore(%arg24 : memref<!tpu.dma_semaphore, #tpu.memory_space<semaphore_mem>>) {add = true}
      %dma_wait3A_522 = arith.constant 3 : i32
      %dma_wait3A_523 = arith.constant 0 : i32
      %dma_wait3A_524 = tpu.memref_slice %arg8[%dma_wait3A_522, %dma_wait3A_523] : memref<4x80xi32, #tpu.memory_space<vmem>> -> memref<1x80xi32, #tpu.memory_space<vmem>>
      %dma_wait3A_525 = tpu.memref_squeeze %dma_wait3A_524 : memref<1x80xi32, #tpu.memory_space<vmem>> -> memref<80xi32, #tpu.memory_space<vmem>>
      %dma_wait3A_526 = arith.constant 0 : i32
      %dma_wait3A_527 = arith.constant 0 : i32
      %dma_wait3A_528 = tpu.memref_slice %arg2[%dma_wait3A_526, %dma_wait3A_527] : memref<10000x128xf32, #tpu.memory_space<hbm>> -> memref<10000x128xf32, #tpu.memory_space<hbm>>
      tpu.wait_indirect_dma semaphore(%arg21 : memref<!tpu.dma_semaphore, #tpu.memory_space<semaphore_mem>>) src(%dma_wait3A_528 : memref<10000x128xf32, #tpu.memory_space<hbm>>) dst(%arg14 : memref<80x128xf32, #tpu.memory_space<vmem>>)
      %dma_start3A_529 = arith.constant 3 : i32
      %dma_start3A_530 = arith.constant 0 : i32
      %dma_start3A_531 = tpu.memref_slice %arg10[%dma_start3A_529, %dma_start3A_530] : memref<4x80xi32, #tpu.memory_space<vmem>> -> memref<1x80xi32, #tpu.memory_space<vmem>>
      %dma_start3A_532 = tpu.memref_squeeze %dma_start3A_531 : memref<1x80xi32, #tpu.memory_space<vmem>> -> memref<80xi32, #tpu.memory_space<vmem>>
      %dma_start3A_533 = arith.constant 0 : i32
      %dma_start3A_534 = arith.constant 0 : i32
      %dma_start3A_535 = tpu.memref_slice %arg15[%dma_start3A_533, %dma_start3A_534] : memref<10112x128xf32, #tpu.memory_space<vmem_shared>> -> memref<10112x128xf32, #tpu.memory_space<vmem_shared>>
      tpu.enqueue_indirect_dma source(%arg14 : memref<80x128xf32, #tpu.memory_space<vmem>>) target(%dma_start3A_535 : memref<10112x128xf32, #tpu.memory_space<vmem_shared>>) offsets(%dma_start3A_532 : memref<80xi32, #tpu.memory_space<vmem>>) semaphore(%arg25 : memref<!tpu.dma_semaphore, #tpu.memory_space<semaphore_mem>>) {add = true}
      %dma_wait3A_536 = arith.constant 0 : i32
      %dma_wait3A_537 = arith.constant 0 : i32
      %dma_wait3A_538 = tpu.memref_slice %arg3[%mul3A_4, %dma_wait3A_536, %dma_wait3A_537] : memref<1024x4x80xi32, #tpu.memory_space<hbm>> -> memref<1x4x80xi32, #tpu.memory_space<hbm>>
      %dma_wait3A_539 = tpu.memref_squeeze %dma_wait3A_538 : memref<1x4x80xi32, #tpu.memory_space<hbm>> -> memref<4x80xi32, #tpu.memory_space<hbm>>
      %dma_wait3A_540 = arith.constant 0 : i32
      %dma_wait3A_541 = arith.constant 0 : i32
      %dma_wait3A_542 = tpu.memref_slice %arg3[%mul3A_4, %dma_wait3A_540, %dma_wait3A_541] : memref<1024x4x80xi32, #tpu.memory_space<hbm>> -> memref<1x4x80xi32, #tpu.memory_space<hbm>>
      %dma_wait3A_543 = tpu.memref_squeeze %dma_wait3A_542 : memref<1x4x80xi32, #tpu.memory_space<hbm>> -> memref<4x80xi32, #tpu.memory_space<hbm>>
      tpu.wait_dma2 semaphore(%arg16 : memref<!tpu.dma_semaphore, #tpu.memory_space<semaphore_mem>>) src(%dma_wait3A_543 : memref<4x80xi32, #tpu.memory_space<hbm>>) dst(%arg7 : memref<4x80xi32, #tpu.memory_space<vmem>>)
      %dma_wait3A_544 = arith.constant 0 : i32
      %dma_wait3A_545 = arith.constant 0 : i32
      %dma_wait3A_546 = tpu.memref_slice %arg3[%mul3A_4, %dma_wait3A_544, %dma_wait3A_545] : memref<1024x4x80xi32, #tpu.memory_space<hbm>> -> memref<1x4x80xi32, #tpu.memory_space<hbm>>
      %dma_wait3A_547 = tpu.memref_squeeze %dma_wait3A_546 : memref<1x4x80xi32, #tpu.memory_space<hbm>> -> memref<4x80xi32, #tpu.memory_space<hbm>>
      %dma_wait3A_548 = arith.constant 0 : i32
      %dma_wait3A_549 = arith.constant 0 : i32
      %dma_wait3A_550 = tpu.memref_slice %arg3[%mul3A_4, %dma_wait3A_548, %dma_wait3A_549] : memref<1024x4x80xi32, #tpu.memory_space<hbm>> -> memref<1x4x80xi32, #tpu.memory_space<hbm>>
      %dma_wait3A_551 = tpu.memref_squeeze %dma_wait3A_550 : memref<1x4x80xi32, #tpu.memory_space<hbm>> -> memref<4x80xi32, #tpu.memory_space<hbm>>
      tpu.wait_dma2 semaphore(%arg16 : memref<!tpu.dma_semaphore, #tpu.memory_space<semaphore_mem>>) src(%dma_wait3A_551 : memref<4x80xi32, #tpu.memory_space<hbm>>) dst(%arg9 : memref<4x80xi32, #tpu.memory_space<vmem>>)
      %dma_wait3A_552 = arith.constant 0 : i32
      %dma_wait3A_553 = arith.constant 0 : i32
      %dma_wait3A_554 = tpu.memref_slice %arg10[%dma_wait3A_552, %dma_wait3A_553] : memref<4x80xi32, #tpu.memory_space<vmem>> -> memref<1x80xi32, #tpu.memory_space<vmem>>
      %dma_wait3A_555 = tpu.memref_squeeze %dma_wait3A_554 : memref<1x80xi32, #tpu.memory_space<vmem>> -> memref<80xi32, #tpu.memory_space<vmem>>
      %dma_wait3A_556 = arith.constant 0 : i32
      %dma_wait3A_557 = arith.constant 0 : i32
      %dma_wait3A_558 = tpu.memref_slice %arg15[%dma_wait3A_556, %dma_wait3A_557] : memref<10112x128xf32, #tpu.memory_space<vmem_shared>> -> memref<10112x128xf32, #tpu.memory_space<vmem_shared>>
      tpu.wait_indirect_dma semaphore(%arg22 : memref<!tpu.dma_semaphore, #tpu.memory_space<semaphore_mem>>) src(%arg11 : memref<80x128xf32, #tpu.memory_space<vmem>>) dst(%dma_wait3A_558 : memref<10112x128xf32, #tpu.memory_space<vmem_shared>>)
      %dma_start3A_559 = arith.constant 0 : i32
      %dma_start3A_560 = arith.constant 0 : i32
      %dma_start3A_561 = tpu.memref_slice %arg7[%dma_start3A_559, %dma_start3A_560] : memref<4x80xi32, #tpu.memory_space<vmem>> -> memref<1x80xi32, #tpu.memory_space<vmem>>
      %dma_start3A_562 = tpu.memref_squeeze %dma_start3A_561 : memref<1x80xi32, #tpu.memory_space<vmem>> -> memref<80xi32, #tpu.memory_space<vmem>>
      %dma_start3A_563 = arith.constant 0 : i32
      %dma_start3A_564 = arith.constant 0 : i32
      %dma_start3A_565 = tpu.memref_slice %arg2[%dma_start3A_563, %dma_start3A_564] : memref<10000x128xf32, #tpu.memory_space<hbm>> -> memref<10000x128xf32, #tpu.memory_space<hbm>>
      tpu.enqueue_indirect_dma source(%dma_start3A_565 : memref<10000x128xf32, #tpu.memory_space<hbm>>) target(%arg11 : memref<80x128xf32, #tpu.memory_space<vmem>>) offsets(%dma_start3A_562 : memref<80xi32, #tpu.memory_space<vmem>>) semaphore(%arg18 : memref<!tpu.dma_semaphore, #tpu.memory_space<semaphore_mem>>)
      %dma_wait3A_566 = arith.constant 1 : i32
      %dma_wait3A_567 = arith.constant 0 : i32
      %dma_wait3A_568 = tpu.memref_slice %arg10[%dma_wait3A_566, %dma_wait3A_567] : memref<4x80xi32, #tpu.memory_space<vmem>> -> memref<1x80xi32, #tpu.memory_space<vmem>>
      %dma_wait3A_569 = tpu.memref_squeeze %dma_wait3A_568 : memref<1x80xi32, #tpu.memory_space<vmem>> -> memref<80xi32, #tpu.memory_space<vmem>>
      %dma_wait3A_570 = arith.constant 0 : i32
      %dma_wait3A_571 = arith.constant 0 : i32
      %dma_wait3A_572 = tpu.memref_slice %arg15[%dma_wait3A_570, %dma_wait3A_571] : memref<10112x128xf32, #tpu.memory_space<vmem_shared>> -> memref<10112x128xf32, #tpu.memory_space<vmem_shared>>
      tpu.wait_indirect_dma semaphore(%arg23 : memref<!tpu.dma_semaphore, #tpu.memory_space<semaphore_mem>>) src(%arg12 : memref<80x128xf32, #tpu.memory_space<vmem>>) dst(%dma_wait3A_572 : memref<10112x128xf32, #tpu.memory_space<vmem_shared>>)
      %dma_start3A_573 = arith.constant 1 : i32
      %dma_start3A_574 = arith.constant 0 : i32
      %dma_start3A_575 = tpu.memref_slice %arg7[%dma_start3A_573, %dma_start3A_574] : memref<4x80xi32, #tpu.memory_space<vmem>> -> memref<1x80xi32, #tpu.memory_space<vmem>>
      %dma_start3A_576 = tpu.memref_squeeze %dma_start3A_575 : memref<1x80xi32, #tpu.memory_space<vmem>> -> memref<80xi32, #tpu.memory_space<vmem>>
      %dma_start3A_577 = arith.constant 0 : i32
      %dma_start3A_578 = arith.constant 0 : i32
      %dma_start3A_579 = tpu.memref_slice %arg2[%dma_start3A_577, %dma_start3A_578] : memref<10000x128xf32, #tpu.memory_space<hbm>> -> memref<10000x128xf32, #tpu.memory_space<hbm>>
      tpu.enqueue_indirect_dma source(%dma_start3A_579 : memref<10000x128xf32, #tpu.memory_space<hbm>>) target(%arg12 : memref<80x128xf32, #tpu.memory_space<vmem>>) offsets(%dma_start3A_576 : memref<80xi32, #tpu.memory_space<vmem>>) semaphore(%arg19 : memref<!tpu.dma_semaphore, #tpu.memory_space<semaphore_mem>>)
      %dma_wait3A_580 = arith.constant 2 : i32
      %dma_wait3A_581 = arith.constant 0 : i32
      %dma_wait3A_582 = tpu.memref_slice %arg10[%dma_wait3A_580, %dma_wait3A_581] : memref<4x80xi32, #tpu.memory_space<vmem>> -> memref<1x80xi32, #tpu.memory_space<vmem>>
      %dma_wait3A_583 = tpu.memref_squeeze %dma_wait3A_582 : memref<1x80xi32, #tpu.memory_space<vmem>> -> memref<80xi32, #tpu.memory_space<vmem>>
      %dma_wait3A_584 = arith.constant 0 : i32
      %dma_wait3A_585 = arith.constant 0 : i32
      %dma_wait3A_586 = tpu.memref_slice %arg15[%dma_wait3A_584, %dma_wait3A_585] : memref<10112x128xf32, #tpu.memory_space<vmem_shared>> -> memref<10112x128xf32, #tpu.memory_space<vmem_shared>>
      tpu.wait_indirect_dma semaphore(%arg24 : memref<!tpu.dma_semaphore, #tpu.memory_space<semaphore_mem>>) src(%arg13 : memref<80x128xf32, #tpu.memory_space<vmem>>) dst(%dma_wait3A_586 : memref<10112x128xf32, #tpu.memory_space<vmem_shared>>)
      %dma_start3A_587 = arith.constant 2 : i32
      %dma_start3A_588 = arith.constant 0 : i32
      %dma_start3A_589 = tpu.memref_slice %arg7[%dma_start3A_587, %dma_start3A_588] : memref<4x80xi32, #tpu.memory_space<vmem>> -> memref<1x80xi32, #tpu.memory_space<vmem>>
      %dma_start3A_590 = tpu.memref_squeeze %dma_start3A_589 : memref<1x80xi32, #tpu.memory_space<vmem>> -> memref<80xi32, #tpu.memory_space<vmem>>
      %dma_start3A_591 = arith.constant 0 : i32
      %dma_start3A_592 = arith.constant 0 : i32
      %dma_start3A_593 = tpu.memref_slice %arg2[%dma_start3A_591, %dma_start3A_592] : memref<10000x128xf32, #tpu.memory_space<hbm>> -> memref<10000x128xf32, #tpu.memory_space<hbm>>
      tpu.enqueue_indirect_dma source(%dma_start3A_593 : memref<10000x128xf32, #tpu.memory_space<hbm>>) target(%arg13 : memref<80x128xf32, #tpu.memory_space<vmem>>) offsets(%dma_start3A_590 : memref<80xi32, #tpu.memory_space<vmem>>) semaphore(%arg20 : memref<!tpu.dma_semaphore, #tpu.memory_space<semaphore_mem>>)
      %dma_wait3A_594 = arith.constant 3 : i32
      %dma_wait3A_595 = arith.constant 0 : i32
      %dma_wait3A_596 = tpu.memref_slice %arg10[%dma_wait3A_594, %dma_wait3A_595] : memref<4x80xi32, #tpu.memory_space<vmem>> -> memref<1x80xi32, #tpu.memory_space<vmem>>
      %dma_wait3A_597 = tpu.memref_squeeze %dma_wait3A_596 : memref<1x80xi32, #tpu.memory_space<vmem>> -> memref<80xi32, #tpu.memory_space<vmem>>
      %dma_wait3A_598 = arith.constant 0 : i32
      %dma_wait3A_599 = arith.constant 0 : i32
      %dma_wait3A_600 = tpu.memref_slice %arg15[%dma_wait3A_598, %dma_wait3A_599] : memref<10112x128xf32, #tpu.memory_space<vmem_shared>> -> memref<10112x128xf32, #tpu.memory_space<vmem_shared>>
      tpu.wait_indirect_dma semaphore(%arg25 : memref<!tpu.dma_semaphore, #tpu.memory_space<semaphore_mem>>) src(%arg14 : memref<80x128xf32, #tpu.memory_space<vmem>>) dst(%dma_wait3A_600 : memref<10112x128xf32, #tpu.memory_space<vmem_shared>>)
      %dma_start3A_601 = arith.constant 3 : i32
      %dma_start3A_602 = arith.constant 0 : i32
      %dma_start3A_603 = tpu.memref_slice %arg7[%dma_start3A_601, %dma_start3A_602] : memref<4x80xi32, #tpu.memory_space<vmem>> -> memref<1x80xi32, #tpu.memory_space<vmem>>
      %dma_start3A_604 = tpu.memref_squeeze %dma_start3A_603 : memref<1x80xi32, #tpu.memory_space<vmem>> -> memref<80xi32, #tpu.memory_space<vmem>>
      %dma_start3A_605 = arith.constant 0 : i32
      %dma_start3A_606 = arith.constant 0 : i32
      %dma_start3A_607 = tpu.memref_slice %arg2[%dma_start3A_605, %dma_start3A_606] : memref<10000x128xf32, #tpu.memory_space<hbm>> -> memref<10000x128xf32, #tpu.memory_space<hbm>>
      tpu.enqueue_indirect_dma source(%dma_start3A_607 : memref<10000x128xf32, #tpu.memory_space<hbm>>) target(%arg14 : memref<80x128xf32, #tpu.memory_space<vmem>>) offsets(%dma_start3A_604 : memref<80xi32, #tpu.memory_space<vmem>>) semaphore(%arg21 : memref<!tpu.dma_semaphore, #tpu.memory_space<semaphore_mem>>)
    }
    %scan3A_71 = arith.constant 15 : i32
    %add3A_72 = arith.constant 31 : i32
    %add3A_73 = arith.addi %mul3A_4, %add3A_72 : i32
    %dma_start3A_74 = arith.constant 0 : i32
    %dma_start3A_75 = arith.constant 0 : i32
    %dma_start3A_76 = tpu.memref_slice %arg3[%add3A_73, %dma_start3A_74, %dma_start3A_75] : memref<1024x4x80xi32, #tpu.memory_space<hbm>> -> memref<1x4x80xi32, #tpu.memory_space<hbm>>
    %dma_start3A_77 = tpu.memref_squeeze %dma_start3A_76 : memref<1x4x80xi32, #tpu.memory_space<hbm>> -> memref<4x80xi32, #tpu.memory_space<hbm>>
    %dma_start3A_78 = arith.constant 0 : i32
    %dma_start3A_79 = arith.constant 0 : i32
    %dma_start3A_80 = tpu.memref_slice %arg3[%add3A_73, %dma_start3A_78, %dma_start3A_79] : memref<1024x4x80xi32, #tpu.memory_space<hbm>> -> memref<1x4x80xi32, #tpu.memory_space<hbm>>
    %dma_start3A_81 = tpu.memref_squeeze %dma_start3A_80 : memref<1x4x80xi32, #tpu.memory_space<hbm>> -> memref<4x80xi32, #tpu.memory_space<hbm>>
    tpu.enqueue_dma source(%dma_start3A_81 : memref<4x80xi32, #tpu.memory_space<hbm>>) target(%arg8 : memref<4x80xi32, #tpu.memory_space<vmem>>) target_semaphore(%arg17 : memref<!tpu.dma_semaphore, #tpu.memory_space<semaphore_mem>>)
    %add3A_82 = arith.constant 31 : i32
    %add3A_83 = arith.addi %mul3A_4, %add3A_82 : i32
    %dma_start3A_84 = arith.constant 0 : i32
    %dma_start3A_85 = arith.constant 0 : i32
    %dma_start3A_86 = tpu.memref_slice %arg4[%add3A_83, %dma_start3A_84, %dma_start3A_85] : memref<1024x4x80xi32, #tpu.memory_space<hbm>> -> memref<1x4x80xi32, #tpu.memory_space<hbm>>
    %dma_start3A_87 = tpu.memref_squeeze %dma_start3A_86 : memref<1x4x80xi32, #tpu.memory_space<hbm>> -> memref<4x80xi32, #tpu.memory_space<hbm>>
    %dma_start3A_88 = arith.constant 0 : i32
    %dma_start3A_89 = arith.constant 0 : i32
    %dma_start3A_90 = tpu.memref_slice %arg4[%add3A_83, %dma_start3A_88, %dma_start3A_89] : memref<1024x4x80xi32, #tpu.memory_space<hbm>> -> memref<1x4x80xi32, #tpu.memory_space<hbm>>
    %dma_start3A_91 = tpu.memref_squeeze %dma_start3A_90 : memref<1x4x80xi32, #tpu.memory_space<hbm>> -> memref<4x80xi32, #tpu.memory_space<hbm>>
    tpu.enqueue_dma source(%dma_start3A_91 : memref<4x80xi32, #tpu.memory_space<hbm>>) target(%arg10 : memref<4x80xi32, #tpu.memory_space<vmem>>) target_semaphore(%arg17 : memref<!tpu.dma_semaphore, #tpu.memory_space<semaphore_mem>>)
    %dma_wait3A_92 = arith.constant 0 : i32
    %dma_wait3A_93 = arith.constant 0 : i32
    %dma_wait3A_94 = tpu.memref_slice %arg7[%dma_wait3A_92, %dma_wait3A_93] : memref<4x80xi32, #tpu.memory_space<vmem>> -> memref<1x80xi32, #tpu.memory_space<vmem>>
    %dma_wait3A_95 = tpu.memref_squeeze %dma_wait3A_94 : memref<1x80xi32, #tpu.memory_space<vmem>> -> memref<80xi32, #tpu.memory_space<vmem>>
    %dma_wait3A_96 = arith.constant 0 : i32
    %dma_wait3A_97 = arith.constant 0 : i32
    %dma_wait3A_98 = tpu.memref_slice %arg2[%dma_wait3A_96, %dma_wait3A_97] : memref<10000x128xf32, #tpu.memory_space<hbm>> -> memref<10000x128xf32, #tpu.memory_space<hbm>>
    tpu.wait_indirect_dma semaphore(%arg18 : memref<!tpu.dma_semaphore, #tpu.memory_space<semaphore_mem>>) src(%dma_wait3A_98 : memref<10000x128xf32, #tpu.memory_space<hbm>>) dst(%arg11 : memref<80x128xf32, #tpu.memory_space<vmem>>)
    %dma_start3A_99 = arith.constant 0 : i32
    %dma_start3A_100 = arith.constant 0 : i32
    %dma_start3A_101 = tpu.memref_slice %arg9[%dma_start3A_99, %dma_start3A_100] : memref<4x80xi32, #tpu.memory_space<vmem>> -> memref<1x80xi32, #tpu.memory_space<vmem>>
    %dma_start3A_102 = tpu.memref_squeeze %dma_start3A_101 : memref<1x80xi32, #tpu.memory_space<vmem>> -> memref<80xi32, #tpu.memory_space<vmem>>
    %dma_start3A_103 = arith.constant 0 : i32
    %dma_start3A_104 = arith.constant 0 : i32
    %dma_start3A_105 = tpu.memref_slice %arg15[%dma_start3A_103, %dma_start3A_104] : memref<10112x128xf32, #tpu.memory_space<vmem_shared>> -> memref<10112x128xf32, #tpu.memory_space<vmem_shared>>
    tpu.enqueue_indirect_dma source(%arg11 : memref<80x128xf32, #tpu.memory_space<vmem>>) target(%dma_start3A_105 : memref<10112x128xf32, #tpu.memory_space<vmem_shared>>) offsets(%dma_start3A_102 : memref<80xi32, #tpu.memory_space<vmem>>) semaphore(%arg22 : memref<!tpu.dma_semaphore, #tpu.memory_space<semaphore_mem>>) {add = true}
    %dma_wait3A_106 = arith.constant 1 : i32
    %dma_wait3A_107 = arith.constant 0 : i32
    %dma_wait3A_108 = tpu.memref_slice %arg7[%dma_wait3A_106, %dma_wait3A_107] : memref<4x80xi32, #tpu.memory_space<vmem>> -> memref<1x80xi32, #tpu.memory_space<vmem>>
    %dma_wait3A_109 = tpu.memref_squeeze %dma_wait3A_108 : memref<1x80xi32, #tpu.memory_space<vmem>> -> memref<80xi32, #tpu.memory_space<vmem>>
    %dma_wait3A_110 = arith.constant 0 : i32
    %dma_wait3A_111 = arith.constant 0 : i32
    %dma_wait3A_112 = tpu.memref_slice %arg2[%dma_wait3A_110, %dma_wait3A_111] : memref<10000x128xf32, #tpu.memory_space<hbm>> -> memref<10000x128xf32, #tpu.memory_space<hbm>>
    tpu.wait_indirect_dma semaphore(%arg19 : memref<!tpu.dma_semaphore, #tpu.memory_space<semaphore_mem>>) src(%dma_wait3A_112 : memref<10000x128xf32, #tpu.memory_space<hbm>>) dst(%arg12 : memref<80x128xf32, #tpu.memory_space<vmem>>)
    %dma_start3A_113 = arith.constant 1 : i32
    %dma_start3A_114 = arith.constant 0 : i32
    %dma_start3A_115 = tpu.memref_slice %arg9[%dma_start3A_113, %dma_start3A_114] : memref<4x80xi32, #tpu.memory_space<vmem>> -> memref<1x80xi32, #tpu.memory_space<vmem>>
    %dma_start3A_116 = tpu.memref_squeeze %dma_start3A_115 : memref<1x80xi32, #tpu.memory_space<vmem>> -> memref<80xi32, #tpu.memory_space<vmem>>
    %dma_start3A_117 = arith.constant 0 : i32
    %dma_start3A_118 = arith.constant 0 : i32
    %dma_start3A_119 = tpu.memref_slice %arg15[%dma_start3A_117, %dma_start3A_118] : memref<10112x128xf32, #tpu.memory_space<vmem_shared>> -> memref<10112x128xf32, #tpu.memory_space<vmem_shared>>
    tpu.enqueue_indirect_dma source(%arg12 : memref<80x128xf32, #tpu.memory_space<vmem>>) target(%dma_start3A_119 : memref<10112x128xf32, #tpu.memory_space<vmem_shared>>) offsets(%dma_start3A_116 : memref<80xi32, #tpu.memory_space<vmem>>) semaphore(%arg23 : memref<!tpu.dma_semaphore, #tpu.memory_space<semaphore_mem>>) {add = true}
    %dma_wait3A_120 = arith.constant 2 : i32
    %dma_wait3A_121 = arith.constant 0 : i32
    %dma_wait3A_122 = tpu.memref_slice %arg7[%dma_wait3A_120, %dma_wait3A_121] : memref<4x80xi32, #tpu.memory_space<vmem>> -> memref<1x80xi32, #tpu.memory_space<vmem>>
    %dma_wait3A_123 = tpu.memref_squeeze %dma_wait3A_122 : memref<1x80xi32, #tpu.memory_space<vmem>> -> memref<80xi32, #tpu.memory_space<vmem>>
    %dma_wait3A_124 = arith.constant 0 : i32
    %dma_wait3A_125 = arith.constant 0 : i32
    %dma_wait3A_126 = tpu.memref_slice %arg2[%dma_wait3A_124, %dma_wait3A_125] : memref<10000x128xf32, #tpu.memory_space<hbm>> -> memref<10000x128xf32, #tpu.memory_space<hbm>>
    tpu.wait_indirect_dma semaphore(%arg20 : memref<!tpu.dma_semaphore, #tpu.memory_space<semaphore_mem>>) src(%dma_wait3A_126 : memref<10000x128xf32, #tpu.memory_space<hbm>>) dst(%arg13 : memref<80x128xf32, #tpu.memory_space<vmem>>)
    %dma_start3A_127 = arith.constant 2 : i32
    %dma_start3A_128 = arith.constant 0 : i32
    %dma_start3A_129 = tpu.memref_slice %arg9[%dma_start3A_127, %dma_start3A_128] : memref<4x80xi32, #tpu.memory_space<vmem>> -> memref<1x80xi32, #tpu.memory_space<vmem>>
    %dma_start3A_130 = tpu.memref_squeeze %dma_start3A_129 : memref<1x80xi32, #tpu.memory_space<vmem>> -> memref<80xi32, #tpu.memory_space<vmem>>
    %dma_start3A_131 = arith.constant 0 : i32
    %dma_start3A_132 = arith.constant 0 : i32
    %dma_start3A_133 = tpu.memref_slice %arg15[%dma_start3A_131, %dma_start3A_132] : memref<10112x128xf32, #tpu.memory_space<vmem_shared>> -> memref<10112x128xf32, #tpu.memory_space<vmem_shared>>
    tpu.enqueue_indirect_dma source(%arg13 : memref<80x128xf32, #tpu.memory_space<vmem>>) target(%dma_start3A_133 : memref<10112x128xf32, #tpu.memory_space<vmem_shared>>) offsets(%dma_start3A_130 : memref<80xi32, #tpu.memory_space<vmem>>) semaphore(%arg24 : memref<!tpu.dma_semaphore, #tpu.memory_space<semaphore_mem>>) {add = true}
    %dma_wait3A_134 = arith.constant 3 : i32
    %dma_wait3A_135 = arith.constant 0 : i32
    %dma_wait3A_136 = tpu.memref_slice %arg7[%dma_wait3A_134, %dma_wait3A_135] : memref<4x80xi32, #tpu.memory_space<vmem>> -> memref<1x80xi32, #tpu.memory_space<vmem>>
    %dma_wait3A_137 = tpu.memref_squeeze %dma_wait3A_136 : memref<1x80xi32, #tpu.memory_space<vmem>> -> memref<80xi32, #tpu.memory_space<vmem>>
    %dma_wait3A_138 = arith.constant 0 : i32
    %dma_wait3A_139 = arith.constant 0 : i32
    %dma_wait3A_140 = tpu.memref_slice %arg2[%dma_wait3A_138, %dma_wait3A_139] : memref<10000x128xf32, #tpu.memory_space<hbm>> -> memref<10000x128xf32, #tpu.memory_space<hbm>>
    tpu.wait_indirect_dma semaphore(%arg21 : memref<!tpu.dma_semaphore, #tpu.memory_space<semaphore_mem>>) src(%dma_wait3A_140 : memref<10000x128xf32, #tpu.memory_space<hbm>>) dst(%arg14 : memref<80x128xf32, #tpu.memory_space<vmem>>)
    %dma_start3A_141 = arith.constant 3 : i32
    %dma_start3A_142 = arith.constant 0 : i32
    %dma_start3A_143 = tpu.memref_slice %arg9[%dma_start3A_141, %dma_start3A_142] : memref<4x80xi32, #tpu.memory_space<vmem>> -> memref<1x80xi32, #tpu.memory_space<vmem>>
    %dma_start3A_144 = tpu.memref_squeeze %dma_start3A_143 : memref<1x80xi32, #tpu.memory_space<vmem>> -> memref<80xi32, #tpu.memory_space<vmem>>
    %dma_start3A_145 = arith.constant 0 : i32
    %dma_start3A_146 = arith.constant 0 : i32
    %dma_start3A_147 = tpu.memref_slice %arg15[%dma_start3A_145, %dma_start3A_146] : memref<10112x128xf32, #tpu.memory_space<vmem_shared>> -> memref<10112x128xf32, #tpu.memory_space<vmem_shared>>
    tpu.enqueue_indirect_dma source(%arg14 : memref<80x128xf32, #tpu.memory_space<vmem>>) target(%dma_start3A_147 : memref<10112x128xf32, #tpu.memory_space<vmem_shared>>) offsets(%dma_start3A_144 : memref<80xi32, #tpu.memory_space<vmem>>) semaphore(%arg25 : memref<!tpu.dma_semaphore, #tpu.memory_space<semaphore_mem>>) {add = true}
    %dma_wait3A_148 = arith.constant 0 : i32
    %dma_wait3A_149 = arith.constant 0 : i32
    %dma_wait3A_150 = tpu.memref_slice %arg3[%mul3A_4, %dma_wait3A_148, %dma_wait3A_149] : memref<1024x4x80xi32, #tpu.memory_space<hbm>> -> memref<1x4x80xi32, #tpu.memory_space<hbm>>
    %dma_wait3A_151 = tpu.memref_squeeze %dma_wait3A_150 : memref<1x4x80xi32, #tpu.memory_space<hbm>> -> memref<4x80xi32, #tpu.memory_space<hbm>>
    %dma_wait3A_152 = arith.constant 0 : i32
    %dma_wait3A_153 = arith.constant 0 : i32
    %dma_wait3A_154 = tpu.memref_slice %arg3[%mul3A_4, %dma_wait3A_152, %dma_wait3A_153] : memref<1024x4x80xi32, #tpu.memory_space<hbm>> -> memref<1x4x80xi32, #tpu.memory_space<hbm>>
    %dma_wait3A_155 = tpu.memref_squeeze %dma_wait3A_154 : memref<1x4x80xi32, #tpu.memory_space<hbm>> -> memref<4x80xi32, #tpu.memory_space<hbm>>
    tpu.wait_dma2 semaphore(%arg17 : memref<!tpu.dma_semaphore, #tpu.memory_space<semaphore_mem>>) src(%dma_wait3A_155 : memref<4x80xi32, #tpu.memory_space<hbm>>) dst(%arg8 : memref<4x80xi32, #tpu.memory_space<vmem>>)
    %dma_wait3A_156 = arith.constant 0 : i32
    %dma_wait3A_157 = arith.constant 0 : i32
    %dma_wait3A_158 = tpu.memref_slice %arg3[%mul3A_4, %dma_wait3A_156, %dma_wait3A_157] : memref<1024x4x80xi32, #tpu.memory_space<hbm>> -> memref<1x4x80xi32, #tpu.memory_space<hbm>>
    %dma_wait3A_159 = tpu.memref_squeeze %dma_wait3A_158 : memref<1x4x80xi32, #tpu.memory_space<hbm>> -> memref<4x80xi32, #tpu.memory_space<hbm>>
    %dma_wait3A_160 = arith.constant 0 : i32
    %dma_wait3A_161 = arith.constant 0 : i32
    %dma_wait3A_162 = tpu.memref_slice %arg3[%mul3A_4, %dma_wait3A_160, %dma_wait3A_161] : memref<1024x4x80xi32, #tpu.memory_space<hbm>> -> memref<1x4x80xi32, #tpu.memory_space<hbm>>
    %dma_wait3A_163 = tpu.memref_squeeze %dma_wait3A_162 : memref<1x4x80xi32, #tpu.memory_space<hbm>> -> memref<4x80xi32, #tpu.memory_space<hbm>>
    tpu.wait_dma2 semaphore(%arg17 : memref<!tpu.dma_semaphore, #tpu.memory_space<semaphore_mem>>) src(%dma_wait3A_163 : memref<4x80xi32, #tpu.memory_space<hbm>>) dst(%arg10 : memref<4x80xi32, #tpu.memory_space<vmem>>)
    %dma_wait3A_164 = arith.constant 0 : i32
    %dma_wait3A_165 = arith.constant 0 : i32
    %dma_wait3A_166 = tpu.memref_slice %arg9[%dma_wait3A_164, %dma_wait3A_165] : memref<4x80xi32, #tpu.memory_space<vmem>> -> memref<1x80xi32, #tpu.memory_space<vmem>>
    %dma_wait3A_167 = tpu.memref_squeeze %dma_wait3A_166 : memref<1x80xi32, #tpu.memory_space<vmem>> -> memref<80xi32, #tpu.memory_space<vmem>>
    %dma_wait3A_168 = arith.constant 0 : i32
    %dma_wait3A_169 = arith.constant 0 : i32
    %dma_wait3A_170 = tpu.memref_slice %arg15[%dma_wait3A_168, %dma_wait3A_169] : memref<10112x128xf32, #tpu.memory_space<vmem_shared>> -> memref<10112x128xf32, #tpu.memory_space<vmem_shared>>
    tpu.wait_indirect_dma semaphore(%arg22 : memref<!tpu.dma_semaphore, #tpu.memory_space<semaphore_mem>>) src(%arg11 : memref<80x128xf32, #tpu.memory_space<vmem>>) dst(%dma_wait3A_170 : memref<10112x128xf32, #tpu.memory_space<vmem_shared>>)
    %dma_start3A_171 = arith.constant 0 : i32
    %dma_start3A_172 = arith.constant 0 : i32
    %dma_start3A_173 = tpu.memref_slice %arg8[%dma_start3A_171, %dma_start3A_172] : memref<4x80xi32, #tpu.memory_space<vmem>> -> memref<1x80xi32, #tpu.memory_space<vmem>>
    %dma_start3A_174 = tpu.memref_squeeze %dma_start3A_173 : memref<1x80xi32, #tpu.memory_space<vmem>> -> memref<80xi32, #tpu.memory_space<vmem>>
    %dma_start3A_175 = arith.constant 0 : i32
    %dma_start3A_176 = arith.constant 0 : i32
    %dma_start3A_177 = tpu.memref_slice %arg2[%dma_start3A_175, %dma_start3A_176] : memref<10000x128xf32, #tpu.memory_space<hbm>> -> memref<10000x128xf32, #tpu.memory_space<hbm>>
    tpu.enqueue_indirect_dma source(%dma_start3A_177 : memref<10000x128xf32, #tpu.memory_space<hbm>>) target(%arg11 : memref<80x128xf32, #tpu.memory_space<vmem>>) offsets(%dma_start3A_174 : memref<80xi32, #tpu.memory_space<vmem>>) semaphore(%arg18 : memref<!tpu.dma_semaphore, #tpu.memory_space<semaphore_mem>>)
    %dma_wait3A_178 = arith.constant 1 : i32
    %dma_wait3A_179 = arith.constant 0 : i32
    %dma_wait3A_180 = tpu.memref_slice %arg9[%dma_wait3A_178, %dma_wait3A_179] : memref<4x80xi32, #tpu.memory_space<vmem>> -> memref<1x80xi32, #tpu.memory_space<vmem>>
    %dma_wait3A_181 = tpu.memref_squeeze %dma_wait3A_180 : memref<1x80xi32, #tpu.memory_space<vmem>> -> memref<80xi32, #tpu.memory_space<vmem>>
    %dma_wait3A_182 = arith.constant 0 : i32
    %dma_wait3A_183 = arith.constant 0 : i32
    %dma_wait3A_184 = tpu.memref_slice %arg15[%dma_wait3A_182, %dma_wait3A_183] : memref<10112x128xf32, #tpu.memory_space<vmem_shared>> -> memref<10112x128xf32, #tpu.memory_space<vmem_shared>>
    tpu.wait_indirect_dma semaphore(%arg23 : memref<!tpu.dma_semaphore, #tpu.memory_space<semaphore_mem>>) src(%arg12 : memref<80x128xf32, #tpu.memory_space<vmem>>) dst(%dma_wait3A_184 : memref<10112x128xf32, #tpu.memory_space<vmem_shared>>)
    %dma_start3A_185 = arith.constant 1 : i32
    %dma_start3A_186 = arith.constant 0 : i32
    %dma_start3A_187 = tpu.memref_slice %arg8[%dma_start3A_185, %dma_start3A_186] : memref<4x80xi32, #tpu.memory_space<vmem>> -> memref<1x80xi32, #tpu.memory_space<vmem>>
    %dma_start3A_188 = tpu.memref_squeeze %dma_start3A_187 : memref<1x80xi32, #tpu.memory_space<vmem>> -> memref<80xi32, #tpu.memory_space<vmem>>
    %dma_start3A_189 = arith.constant 0 : i32
    %dma_start3A_190 = arith.constant 0 : i32
    %dma_start3A_191 = tpu.memref_slice %arg2[%dma_start3A_189, %dma_start3A_190] : memref<10000x128xf32, #tpu.memory_space<hbm>> -> memref<10000x128xf32, #tpu.memory_space<hbm>>
    tpu.enqueue_indirect_dma source(%dma_start3A_191 : memref<10000x128xf32, #tpu.memory_space<hbm>>) target(%arg12 : memref<80x128xf32, #tpu.memory_space<vmem>>) offsets(%dma_start3A_188 : memref<80xi32, #tpu.memory_space<vmem>>) semaphore(%arg19 : memref<!tpu.dma_semaphore, #tpu.memory_space<semaphore_mem>>)
    %dma_wait3A_192 = arith.constant 2 : i32
    %dma_wait3A_193 = arith.constant 0 : i32
    %dma_wait3A_194 = tpu.memref_slice %arg9[%dma_wait3A_192, %dma_wait3A_193] : memref<4x80xi32, #tpu.memory_space<vmem>> -> memref<1x80xi32, #tpu.memory_space<vmem>>
    %dma_wait3A_195 = tpu.memref_squeeze %dma_wait3A_194 : memref<1x80xi32, #tpu.memory_space<vmem>> -> memref<80xi32, #tpu.memory_space<vmem>>
    %dma_wait3A_196 = arith.constant 0 : i32
    %dma_wait3A_197 = arith.constant 0 : i32
    %dma_wait3A_198 = tpu.memref_slice %arg15[%dma_wait3A_196, %dma_wait3A_197] : memref<10112x128xf32, #tpu.memory_space<vmem_shared>> -> memref<10112x128xf32, #tpu.memory_space<vmem_shared>>
    tpu.wait_indirect_dma semaphore(%arg24 : memref<!tpu.dma_semaphore, #tpu.memory_space<semaphore_mem>>) src(%arg13 : memref<80x128xf32, #tpu.memory_space<vmem>>) dst(%dma_wait3A_198 : memref<10112x128xf32, #tpu.memory_space<vmem_shared>>)
    %dma_start3A_199 = arith.constant 2 : i32
    %dma_start3A_200 = arith.constant 0 : i32
    %dma_start3A_201 = tpu.memref_slice %arg8[%dma_start3A_199, %dma_start3A_200] : memref<4x80xi32, #tpu.memory_space<vmem>> -> memref<1x80xi32, #tpu.memory_space<vmem>>
    %dma_start3A_202 = tpu.memref_squeeze %dma_start3A_201 : memref<1x80xi32, #tpu.memory_space<vmem>> -> memref<80xi32, #tpu.memory_space<vmem>>
    %dma_start3A_203 = arith.constant 0 : i32
    %dma_start3A_204 = arith.constant 0 : i32
    %dma_start3A_205 = tpu.memref_slice %arg2[%dma_start3A_203, %dma_start3A_204] : memref<10000x128xf32, #tpu.memory_space<hbm>> -> memref<10000x128xf32, #tpu.memory_space<hbm>>
    tpu.enqueue_indirect_dma source(%dma_start3A_205 : memref<10000x128xf32, #tpu.memory_space<hbm>>) target(%arg13 : memref<80x128xf32, #tpu.memory_space<vmem>>) offsets(%dma_start3A_202 : memref<80xi32, #tpu.memory_space<vmem>>) semaphore(%arg20 : memref<!tpu.dma_semaphore, #tpu.memory_space<semaphore_mem>>)
    %dma_wait3A_206 = arith.constant 3 : i32
    %dma_wait3A_207 = arith.constant 0 : i32
    %dma_wait3A_208 = tpu.memref_slice %arg9[%dma_wait3A_206, %dma_wait3A_207] : memref<4x80xi32, #tpu.memory_space<vmem>> -> memref<1x80xi32, #tpu.memory_space<vmem>>
    %dma_wait3A_209 = tpu.memref_squeeze %dma_wait3A_208 : memref<1x80xi32, #tpu.memory_space<vmem>> -> memref<80xi32, #tpu.memory_space<vmem>>
    %dma_wait3A_210 = arith.constant 0 : i32
    %dma_wait3A_211 = arith.constant 0 : i32
    %dma_wait3A_212 = tpu.memref_slice %arg15[%dma_wait3A_210, %dma_wait3A_211] : memref<10112x128xf32, #tpu.memory_space<vmem_shared>> -> memref<10112x128xf32, #tpu.memory_space<vmem_shared>>
    tpu.wait_indirect_dma semaphore(%arg25 : memref<!tpu.dma_semaphore, #tpu.memory_space<semaphore_mem>>) src(%arg14 : memref<80x128xf32, #tpu.memory_space<vmem>>) dst(%dma_wait3A_212 : memref<10112x128xf32, #tpu.memory_space<vmem_shared>>)
    %dma_start3A_213 = arith.constant 3 : i32
    %dma_start3A_214 = arith.constant 0 : i32
    %dma_start3A_215 = tpu.memref_slice %arg8[%dma_start3A_213, %dma_start3A_214] : memref<4x80xi32, #tpu.memory_space<vmem>> -> memref<1x80xi32, #tpu.memory_space<vmem>>
    %dma_start3A_216 = tpu.memref_squeeze %dma_start3A_215 : memref<1x80xi32, #tpu.memory_space<vmem>> -> memref<80xi32, #tpu.memory_space<vmem>>
    %dma_start3A_217 = arith.constant 0 : i32
    %dma_start3A_218 = arith.constant 0 : i32
    %dma_start3A_219 = tpu.memref_slice %arg2[%dma_start3A_217, %dma_start3A_218] : memref<10000x128xf32, #tpu.memory_space<hbm>> -> memref<10000x128xf32, #tpu.memory_space<hbm>>
    tpu.enqueue_indirect_dma source(%dma_start3A_219 : memref<10000x128xf32, #tpu.memory_space<hbm>>) target(%arg14 : memref<80x128xf32, #tpu.memory_space<vmem>>) offsets(%dma_start3A_216 : memref<80xi32, #tpu.memory_space<vmem>>) semaphore(%arg21 : memref<!tpu.dma_semaphore, #tpu.memory_space<semaphore_mem>>)
    %dma_wait3A_220 = arith.constant 0 : i32
    %dma_wait3A_221 = arith.constant 0 : i32
    %dma_wait3A_222 = tpu.memref_slice %arg8[%dma_wait3A_220, %dma_wait3A_221] : memref<4x80xi32, #tpu.memory_space<vmem>> -> memref<1x80xi32, #tpu.memory_space<vmem>>
    %dma_wait3A_223 = tpu.memref_squeeze %dma_wait3A_222 : memref<1x80xi32, #tpu.memory_space<vmem>> -> memref<80xi32, #tpu.memory_space<vmem>>
    %dma_wait3A_224 = arith.constant 0 : i32
    %dma_wait3A_225 = arith.constant 0 : i32
    %dma_wait3A_226 = tpu.memref_slice %arg2[%dma_wait3A_224, %dma_wait3A_225] : memref<10000x128xf32, #tpu.memory_space<hbm>> -> memref<10000x128xf32, #tpu.memory_space<hbm>>
    tpu.wait_indirect_dma semaphore(%arg18 : memref<!tpu.dma_semaphore, #tpu.memory_space<semaphore_mem>>) src(%dma_wait3A_226 : memref<10000x128xf32, #tpu.memory_space<hbm>>) dst(%arg11 : memref<80x128xf32, #tpu.memory_space<vmem>>)
    %dma_start3A_227 = arith.constant 0 : i32
    %dma_start3A_228 = arith.constant 0 : i32
    %dma_start3A_229 = tpu.memref_slice %arg10[%dma_start3A_227, %dma_start3A_228] : memref<4x80xi32, #tpu.memory_space<vmem>> -> memref<1x80xi32, #tpu.memory_space<vmem>>
    %dma_start3A_230 = tpu.memref_squeeze %dma_start3A_229 : memref<1x80xi32, #tpu.memory_space<vmem>> -> memref<80xi32, #tpu.memory_space<vmem>>
    %dma_start3A_231 = arith.constant 0 : i32
    %dma_start3A_232 = arith.constant 0 : i32
    %dma_start3A_233 = tpu.memref_slice %arg15[%dma_start3A_231, %dma_start3A_232] : memref<10112x128xf32, #tpu.memory_space<vmem_shared>> -> memref<10112x128xf32, #tpu.memory_space<vmem_shared>>
    tpu.enqueue_indirect_dma source(%arg11 : memref<80x128xf32, #tpu.memory_space<vmem>>) target(%dma_start3A_233 : memref<10112x128xf32, #tpu.memory_space<vmem_shared>>) offsets(%dma_start3A_230 : memref<80xi32, #tpu.memory_space<vmem>>) semaphore(%arg22 : memref<!tpu.dma_semaphore, #tpu.memory_space<semaphore_mem>>) {add = true}
    %dma_wait3A_234 = arith.constant 1 : i32
    %dma_wait3A_235 = arith.constant 0 : i32
    %dma_wait3A_236 = tpu.memref_slice %arg8[%dma_wait3A_234, %dma_wait3A_235] : memref<4x80xi32, #tpu.memory_space<vmem>> -> memref<1x80xi32, #tpu.memory_space<vmem>>
    %dma_wait3A_237 = tpu.memref_squeeze %dma_wait3A_236 : memref<1x80xi32, #tpu.memory_space<vmem>> -> memref<80xi32, #tpu.memory_space<vmem>>
    %dma_wait3A_238 = arith.constant 0 : i32
    %dma_wait3A_239 = arith.constant 0 : i32
    %dma_wait3A_240 = tpu.memref_slice %arg2[%dma_wait3A_238, %dma_wait3A_239] : memref<10000x128xf32, #tpu.memory_space<hbm>> -> memref<10000x128xf32, #tpu.memory_space<hbm>>
    tpu.wait_indirect_dma semaphore(%arg19 : memref<!tpu.dma_semaphore, #tpu.memory_space<semaphore_mem>>) src(%dma_wait3A_240 : memref<10000x128xf32, #tpu.memory_space<hbm>>) dst(%arg12 : memref<80x128xf32, #tpu.memory_space<vmem>>)
    %dma_start3A_241 = arith.constant 1 : i32
    %dma_start3A_242 = arith.constant 0 : i32
    %dma_start3A_243 = tpu.memref_slice %arg10[%dma_start3A_241, %dma_start3A_242] : memref<4x80xi32, #tpu.memory_space<vmem>> -> memref<1x80xi32, #tpu.memory_space<vmem>>
    %dma_start3A_244 = tpu.memref_squeeze %dma_start3A_243 : memref<1x80xi32, #tpu.memory_space<vmem>> -> memref<80xi32, #tpu.memory_space<vmem>>
    %dma_start3A_245 = arith.constant 0 : i32
    %dma_start3A_246 = arith.constant 0 : i32
    %dma_start3A_247 = tpu.memref_slice %arg15[%dma_start3A_245, %dma_start3A_246] : memref<10112x128xf32, #tpu.memory_space<vmem_shared>> -> memref<10112x128xf32, #tpu.memory_space<vmem_shared>>
    tpu.enqueue_indirect_dma source(%arg12 : memref<80x128xf32, #tpu.memory_space<vmem>>) target(%dma_start3A_247 : memref<10112x128xf32, #tpu.memory_space<vmem_shared>>) offsets(%dma_start3A_244 : memref<80xi32, #tpu.memory_space<vmem>>) semaphore(%arg23 : memref<!tpu.dma_semaphore, #tpu.memory_space<semaphore_mem>>) {add = true}
    %dma_wait3A_248 = arith.constant 2 : i32
    %dma_wait3A_249 = arith.constant 0 : i32
    %dma_wait3A_250 = tpu.memref_slice %arg8[%dma_wait3A_248, %dma_wait3A_249] : memref<4x80xi32, #tpu.memory_space<vmem>> -> memref<1x80xi32, #tpu.memory_space<vmem>>
    %dma_wait3A_251 = tpu.memref_squeeze %dma_wait3A_250 : memref<1x80xi32, #tpu.memory_space<vmem>> -> memref<80xi32, #tpu.memory_space<vmem>>
    %dma_wait3A_252 = arith.constant 0 : i32
    %dma_wait3A_253 = arith.constant 0 : i32
    %dma_wait3A_254 = tpu.memref_slice %arg2[%dma_wait3A_252, %dma_wait3A_253] : memref<10000x128xf32, #tpu.memory_space<hbm>> -> memref<10000x128xf32, #tpu.memory_space<hbm>>
    tpu.wait_indirect_dma semaphore(%arg20 : memref<!tpu.dma_semaphore, #tpu.memory_space<semaphore_mem>>) src(%dma_wait3A_254 : memref<10000x128xf32, #tpu.memory_space<hbm>>) dst(%arg13 : memref<80x128xf32, #tpu.memory_space<vmem>>)
    %dma_start3A_255 = arith.constant 2 : i32
    %dma_start3A_256 = arith.constant 0 : i32
    %dma_start3A_257 = tpu.memref_slice %arg10[%dma_start3A_255, %dma_start3A_256] : memref<4x80xi32, #tpu.memory_space<vmem>> -> memref<1x80xi32, #tpu.memory_space<vmem>>
    %dma_start3A_258 = tpu.memref_squeeze %dma_start3A_257 : memref<1x80xi32, #tpu.memory_space<vmem>> -> memref<80xi32, #tpu.memory_space<vmem>>
    %dma_start3A_259 = arith.constant 0 : i32
    %dma_start3A_260 = arith.constant 0 : i32
    %dma_start3A_261 = tpu.memref_slice %arg15[%dma_start3A_259, %dma_start3A_260] : memref<10112x128xf32, #tpu.memory_space<vmem_shared>> -> memref<10112x128xf32, #tpu.memory_space<vmem_shared>>
    tpu.enqueue_indirect_dma source(%arg13 : memref<80x128xf32, #tpu.memory_space<vmem>>) target(%dma_start3A_261 : memref<10112x128xf32, #tpu.memory_space<vmem_shared>>) offsets(%dma_start3A_258 : memref<80xi32, #tpu.memory_space<vmem>>) semaphore(%arg24 : memref<!tpu.dma_semaphore, #tpu.memory_space<semaphore_mem>>) {add = true}
    %dma_wait3A_262 = arith.constant 3 : i32
    %dma_wait3A_263 = arith.constant 0 : i32
    %dma_wait3A_264 = tpu.memref_slice %arg8[%dma_wait3A_262, %dma_wait3A_263] : memref<4x80xi32, #tpu.memory_space<vmem>> -> memref<1x80xi32, #tpu.memory_space<vmem>>
    %dma_wait3A_265 = tpu.memref_squeeze %dma_wait3A_264 : memref<1x80xi32, #tpu.memory_space<vmem>> -> memref<80xi32, #tpu.memory_space<vmem>>
    %dma_wait3A_266 = arith.constant 0 : i32
    %dma_wait3A_267 = arith.constant 0 : i32
    %dma_wait3A_268 = tpu.memref_slice %arg2[%dma_wait3A_266, %dma_wait3A_267] : memref<10000x128xf32, #tpu.memory_space<hbm>> -> memref<10000x128xf32, #tpu.memory_space<hbm>>
    tpu.wait_indirect_dma semaphore(%arg21 : memref<!tpu.dma_semaphore, #tpu.memory_space<semaphore_mem>>) src(%dma_wait3A_268 : memref<10000x128xf32, #tpu.memory_space<hbm>>) dst(%arg14 : memref<80x128xf32, #tpu.memory_space<vmem>>)
    %dma_start3A_269 = arith.constant 3 : i32
    %dma_start3A_270 = arith.constant 0 : i32
    %dma_start3A_271 = tpu.memref_slice %arg10[%dma_start3A_269, %dma_start3A_270] : memref<4x80xi32, #tpu.memory_space<vmem>> -> memref<1x80xi32, #tpu.memory_space<vmem>>
    %dma_start3A_272 = tpu.memref_squeeze %dma_start3A_271 : memref<1x80xi32, #tpu.memory_space<vmem>> -> memref<80xi32, #tpu.memory_space<vmem>>
    %dma_start3A_273 = arith.constant 0 : i32
    %dma_start3A_274 = arith.constant 0 : i32
    %dma_start3A_275 = tpu.memref_slice %arg15[%dma_start3A_273, %dma_start3A_274] : memref<10112x128xf32, #tpu.memory_space<vmem_shared>> -> memref<10112x128xf32, #tpu.memory_space<vmem_shared>>
    tpu.enqueue_indirect_dma source(%arg14 : memref<80x128xf32, #tpu.memory_space<vmem>>) target(%dma_start3A_275 : memref<10112x128xf32, #tpu.memory_space<vmem_shared>>) offsets(%dma_start3A_272 : memref<80xi32, #tpu.memory_space<vmem>>) semaphore(%arg25 : memref<!tpu.dma_semaphore, #tpu.memory_space<semaphore_mem>>) {add = true}
    %dma_wait3A_276 = arith.constant 0 : i32
    %dma_wait3A_277 = arith.constant 0 : i32
    %dma_wait3A_278 = tpu.memref_slice %arg10[%dma_wait3A_276, %dma_wait3A_277] : memref<4x80xi32, #tpu.memory_space<vmem>> -> memref<1x80xi32, #tpu.memory_space<vmem>>
    %dma_wait3A_279 = tpu.memref_squeeze %dma_wait3A_278 : memref<1x80xi32, #tpu.memory_space<vmem>> -> memref<80xi32, #tpu.memory_space<vmem>>
    %dma_wait3A_280 = arith.constant 0 : i32
    %dma_wait3A_281 = arith.constant 0 : i32
    %dma_wait3A_282 = tpu.memref_slice %arg15[%dma_wait3A_280, %dma_wait3A_281] : memref<10112x128xf32, #tpu.memory_space<vmem_shared>> -> memref<10112x128xf32, #tpu.memory_space<vmem_shared>>
    tpu.wait_indirect_dma semaphore(%arg22 : memref<!tpu.dma_semaphore, #tpu.memory_space<semaphore_mem>>) src(%arg11 : memref<80x128xf32, #tpu.memory_space<vmem>>) dst(%dma_wait3A_282 : memref<10112x128xf32, #tpu.memory_space<vmem_shared>>)
    %dma_wait3A_283 = arith.constant 1 : i32
    %dma_wait3A_284 = arith.constant 0 : i32
    %dma_wait3A_285 = tpu.memref_slice %arg10[%dma_wait3A_283, %dma_wait3A_284] : memref<4x80xi32, #tpu.memory_space<vmem>> -> memref<1x80xi32, #tpu.memory_space<vmem>>
    %dma_wait3A_286 = tpu.memref_squeeze %dma_wait3A_285 : memref<1x80xi32, #tpu.memory_space<vmem>> -> memref<80xi32, #tpu.memory_space<vmem>>
    %dma_wait3A_287 = arith.constant 0 : i32
    %dma_wait3A_288 = arith.constant 0 : i32
    %dma_wait3A_289 = tpu.memref_slice %arg15[%dma_wait3A_287, %dma_wait3A_288] : memref<10112x128xf32, #tpu.memory_space<vmem_shared>> -> memref<10112x128xf32, #tpu.memory_space<vmem_shared>>
    tpu.wait_indirect_dma semaphore(%arg23 : memref<!tpu.dma_semaphore, #tpu.memory_space<semaphore_mem>>) src(%arg12 : memref<80x128xf32, #tpu.memory_space<vmem>>) dst(%dma_wait3A_289 : memref<10112x128xf32, #tpu.memory_space<vmem_shared>>)
    %dma_wait3A_290 = arith.constant 2 : i32
    %dma_wait3A_291 = arith.constant 0 : i32
    %dma_wait3A_292 = tpu.memref_slice %arg10[%dma_wait3A_290, %dma_wait3A_291] : memref<4x80xi32, #tpu.memory_space<vmem>> -> memref<1x80xi32, #tpu.memory_space<vmem>>
    %dma_wait3A_293 = tpu.memref_squeeze %dma_wait3A_292 : memref<1x80xi32, #tpu.memory_space<vmem>> -> memref<80xi32, #tpu.memory_space<vmem>>
    %dma_wait3A_294 = arith.constant 0 : i32
    %dma_wait3A_295 = arith.constant 0 : i32
    %dma_wait3A_296 = tpu.memref_slice %arg15[%dma_wait3A_294, %dma_wait3A_295] : memref<10112x128xf32, #tpu.memory_space<vmem_shared>> -> memref<10112x128xf32, #tpu.memory_space<vmem_shared>>
    tpu.wait_indirect_dma semaphore(%arg24 : memref<!tpu.dma_semaphore, #tpu.memory_space<semaphore_mem>>) src(%arg13 : memref<80x128xf32, #tpu.memory_space<vmem>>) dst(%dma_wait3A_296 : memref<10112x128xf32, #tpu.memory_space<vmem_shared>>)
    %dma_wait3A_297 = arith.constant 3 : i32
    %dma_wait3A_298 = arith.constant 0 : i32
    %dma_wait3A_299 = tpu.memref_slice %arg10[%dma_wait3A_297, %dma_wait3A_298] : memref<4x80xi32, #tpu.memory_space<vmem>> -> memref<1x80xi32, #tpu.memory_space<vmem>>
    %dma_wait3A_300 = tpu.memref_squeeze %dma_wait3A_299 : memref<1x80xi32, #tpu.memory_space<vmem>> -> memref<80xi32, #tpu.memory_space<vmem>>
    %dma_wait3A_301 = arith.constant 0 : i32
    %dma_wait3A_302 = arith.constant 0 : i32
    %dma_wait3A_303 = tpu.memref_slice %arg15[%dma_wait3A_301, %dma_wait3A_302] : memref<10112x128xf32, #tpu.memory_space<vmem_shared>> -> memref<10112x128xf32, #tpu.memory_space<vmem_shared>>
    tpu.wait_indirect_dma semaphore(%arg25 : memref<!tpu.dma_semaphore, #tpu.memory_space<semaphore_mem>>) src(%arg14 : memref<80x128xf32, #tpu.memory_space<vmem>>) dst(%dma_wait3A_303 : memref<10112x128xf32, #tpu.memory_space<vmem_shared>>)
    %barrier3A_304 = arith.constant 0 : index
    tpu.barrier barrier_id(%barrier3A_304)
    "tpu.region"() ({
      %run_scoped3A = tpu.sem_alloc : memref<!tpu.dma_semaphore, #tpu.memory_space<semaphore_mem>>
      %dma_start3A_305 = arith.constant 0 : i32
      %dma_start3A_306 = tpu.memref_slice %arg6[%arg0, %mul3A_0, %dma_start3A_305] : memref<2x10112x128xf32, #tpu.memory_space<hbm>> -> memref<1x632x128xf32, #tpu.memory_space<hbm>>
      %dma_start3A_307 = tpu.memref_squeeze %dma_start3A_306 : memref<1x632x128xf32, #tpu.memory_space<hbm>> -> memref<632x128xf32, #tpu.memory_space<hbm>>
      %dma_start3A_308 = arith.constant 0 : i32
      %dma_start3A_309 = tpu.memref_slice %arg15[%mul3A_0, %dma_start3A_308] : memref<10112x128xf32, #tpu.memory_space<vmem_shared>> -> memref<632x128xf32, #tpu.memory_space<vmem_shared>>
      tpu.enqueue_dma source(%dma_start3A_309 : memref<632x128xf32, #tpu.memory_space<vmem_shared>>) target(%dma_start3A_307 : memref<632x128xf32, #tpu.memory_space<hbm>>) target_semaphore(%run_scoped3A : memref<!tpu.dma_semaphore, #tpu.memory_space<semaphore_mem>>)
      %dma_wait3A_310 = arith.constant 0 : i32
      %dma_wait3A_311 = tpu.memref_slice %arg6[%arg0, %mul3A_0, %dma_wait3A_310] : memref<2x10112x128xf32, #tpu.memory_space<hbm>> -> memref<1x632x128xf32, #tpu.memory_space<hbm>>
      %dma_wait3A_312 = tpu.memref_squeeze %dma_wait3A_311 : memref<1x632x128xf32, #tpu.memory_space<hbm>> -> memref<632x128xf32, #tpu.memory_space<hbm>>
      %dma_wait3A_313 = arith.constant 0 : i32
      %dma_wait3A_314 = tpu.memref_slice %arg15[%mul3A_0, %dma_wait3A_313] : memref<10112x128xf32, #tpu.memory_space<vmem_shared>> -> memref<632x128xf32, #tpu.memory_space<vmem_shared>>
      tpu.wait_dma2 semaphore(%run_scoped3A : memref<!tpu.dma_semaphore, #tpu.memory_space<semaphore_mem>>) src(%dma_wait3A_314 : memref<632x128xf32, #tpu.memory_space<vmem_shared>>) dst(%dma_wait3A_312 : memref<632x128xf32, #tpu.memory_space<hbm>>)
      tpu.yield
    }) : () -> ()
    return
  }
}

module attributes {stable_mosaic.version = 14 : i64} {
  func.func @body(%arg0: i32, %arg1: memref<2000x128xf32, #tpu.memory_space<vmem>>, %arg2: memref<2000x128xf32, #tpu.memory_space<vmem>>, %arg3: memref<128x128xf32, #tpu.memory_space<vmem>>, %arg4: memref<1x128xf32, #tpu.memory_space<vmem>>, %arg5: memref<128x128xf32, #tpu.memory_space<vmem>>, %arg6: memref<1x128xf32, #tpu.memory_space<vmem>>, %arg7: memref<1x1xf32, #tpu.memory_space<vmem>>, %arg8: memref<1x1xf32, #tpu.memory_space<vmem>>, %arg9: memref<2000x128xf32, #tpu.memory_space<vmem>>) attributes {dimension_semantics = [#tpu.dimension_semantics<arbitrary>], iteration_bounds = array<i64: 5>, scalar_prefetch = 0 : i64, scratch_operands = 0 : i64, tpu.core_type = #tpu.core_type<tc>, window_params = [{transform_indices = @transform_0, window_bounds = array<i64: 2000, 128>}, {transform_indices = @transform_1, window_bounds = array<i64: 2000, 128>}, {pipeline_mode = #tpu.pipeline_mode<synchronous>, transform_indices = @transform_2, window_bounds = array<i64: 128, 128>}, {pipeline_mode = #tpu.pipeline_mode<synchronous>, transform_indices = @transform_3, window_bounds = array<i64: 1, 128>}, {pipeline_mode = #tpu.pipeline_mode<synchronous>, transform_indices = @transform_4, window_bounds = array<i64: 128, 128>}, {pipeline_mode = #tpu.pipeline_mode<synchronous>, transform_indices = @transform_5, window_bounds = array<i64: 1, 128>}, {pipeline_mode = #tpu.pipeline_mode<synchronous>, transform_indices = @transform_6, window_bounds = array<i64: 1, 1>}, {pipeline_mode = #tpu.pipeline_mode<synchronous>, transform_indices = @transform_7, window_bounds = array<i64: 1, 1>}, {transform_indices = @transform_8, window_bounds = array<i64: 2000, 128>}]} {
    %get3A = arith.constant 0 : index
    %get3A_0 = arith.constant 0 : index
    %get3A_1 = vector.load %arg7[%get3A, %get3A_0] : memref<1x1xf32, #tpu.memory_space<vmem>>, vector<1x1xf32>
    %get3A_2 = vector.extract %get3A_1[0, 0] : f32 from vector<1x1xf32>
    %get3A_3 = arith.constant 0 : index
    %get3A_4 = arith.constant 0 : index
    %get3A_5 = vector.load %arg8[%get3A_3, %get3A_4] : memref<1x1xf32, #tpu.memory_space<vmem>>, vector<1x1xf32>
    %get3A_6 = vector.extract %get3A_5[0, 0] : f32 from vector<1x1xf32>
    %get3A_7 = arith.constant 0 : index
    %get3A_8 = arith.constant 0 : index
    %get3A_9 = vector.load %arg1[%get3A_7, %get3A_8] : memref<2000x128xf32, #tpu.memory_space<vmem>>, vector<2000x128xf32>
    %get3A_10 = arith.constant 0 : index
    %get3A_11 = arith.constant 0 : index
    %get3A_12 = vector.load %arg3[%get3A_10, %get3A_11] : memref<128x128xf32, #tpu.memory_space<vmem>>, vector<128x128xf32>
    %dot_general3A = arith.constant dense<0.000000e+00> : vector<2000x128xf32>
    %dot_general3A_13 = tpu.matmul %get3A_9, %get3A_12, %dot_general3A {dimension_numbers = #tpu.dot_dimension_numbers<[1], [1], [0], [0], [0, 0, 1, 0], [], []>, transpose_lhs_hint = false} : vector<2000x128xf32>, vector<128x128xf32>, vector<2000x128xf32> -> vector<2000x128xf32>
    %get3A_14 = arith.constant 0 : index
    %get3A_15 = arith.constant 0 : index
    %get3A_16 = vector.load %arg4[%get3A_14, %get3A_15] : memref<1x128xf32, #tpu.memory_space<vmem>>, vector<1x128xf32>
    %add3A = vector.broadcast %get3A_16 : vector<1x128xf32> to vector<2000x128xf32>
    %add3A_17 = arith.addf %dot_general3A_13, %add3A : vector<2000x128xf32>
    %get3A_18 = arith.constant 0 : index
    %get3A_19 = arith.constant 0 : index
    %get3A_20 = vector.load %arg2[%get3A_18, %get3A_19] : memref<2000x128xf32, #tpu.memory_space<vmem>>, vector<2000x128xf32>
    %get3A_21 = arith.constant 0 : index
    %get3A_22 = arith.constant 0 : index
    %get3A_23 = vector.load %arg5[%get3A_21, %get3A_22] : memref<128x128xf32, #tpu.memory_space<vmem>>, vector<128x128xf32>
    %dot_general3A_24 = arith.constant dense<0.000000e+00> : vector<2000x128xf32>
    %dot_general3A_25 = tpu.matmul %get3A_20, %get3A_23, %dot_general3A_24 {dimension_numbers = #tpu.dot_dimension_numbers<[1], [1], [0], [0], [0, 0, 1, 0], [], []>, transpose_lhs_hint = false} : vector<2000x128xf32>, vector<128x128xf32>, vector<2000x128xf32> -> vector<2000x128xf32>
    %get3A_26 = arith.constant 0 : index
    %get3A_27 = arith.constant 0 : index
    %get3A_28 = vector.load %arg6[%get3A_26, %get3A_27] : memref<1x128xf32, #tpu.memory_space<vmem>>, vector<1x128xf32>
    %add3A_29 = vector.broadcast %get3A_28 : vector<1x128xf32> to vector<2000x128xf32>
    %add3A_30 = arith.addf %dot_general3A_25, %add3A_29 : vector<2000x128xf32>
    %ge3A = arith.constant 0.000000e+00 : f32
    %ge3A_31 = vector.broadcast %ge3A : f32 to vector<2000x128xf32>
    %ge3A_32 = arith.cmpf oge, %add3A_17, %ge3A_31 : vector<2000x128xf32>
    %mul3A = arith.constant 0.00999999977 : f32
    %mul3A_33 = vector.broadcast %mul3A : f32 to vector<2000x128xf32>
    %mul3A_34 = arith.mulf %mul3A_33, %add3A_17 : vector<2000x128xf32>
    %select_n3A = arith.select %ge3A_32, %add3A_17, %mul3A_34 : vector<2000x128xi1>, vector<2000x128xf32>
    %mul3A_35 = vector.broadcast %get3A_2 : f32 to vector<2000x128xf32>
    %mul3A_36 = arith.mulf %mul3A_35, %select_n3A : vector<2000x128xf32>
    %ge3A_37 = arith.constant 0.000000e+00 : f32
    %ge3A_38 = vector.broadcast %ge3A_37 : f32 to vector<2000x128xf32>
    %ge3A_39 = arith.cmpf oge, %add3A_30, %ge3A_38 : vector<2000x128xf32>
    %mul3A_40 = arith.constant 0.00999999977 : f32
    %mul3A_41 = vector.broadcast %mul3A_40 : f32 to vector<2000x128xf32>
    %mul3A_42 = arith.mulf %mul3A_41, %add3A_30 : vector<2000x128xf32>
    %select_n3A_43 = arith.select %ge3A_39, %add3A_30, %mul3A_42 : vector<2000x128xi1>, vector<2000x128xf32>
    %mul3A_44 = vector.broadcast %get3A_6 : f32 to vector<2000x128xf32>
    %mul3A_45 = arith.mulf %mul3A_44, %select_n3A_43 : vector<2000x128xf32>
    %add3A_46 = arith.addf %mul3A_36, %mul3A_45 : vector<2000x128xf32>
    %swap3A = arith.constant 0 : index
    %swap3A_47 = arith.constant 0 : index
    %swap3A_48 = vector.load %arg9[%swap3A, %swap3A_47] : memref<2000x128xf32, #tpu.memory_space<vmem>>, vector<2000x128xf32>
    tpu.vector_store %arg9[%swap3A, %swap3A_47], %add3A_46 {strides = array<i32>} : memref<2000x128xf32, #tpu.memory_space<vmem>>, vector<2000x128xf32>,
    return
  }
  func.func @transform_0(%arg0: i32) -> (i32, i32) {
    %c0_i32 = arith.constant 0 : i32
    %c0_i32_0 = arith.constant 0 : i32
    return %arg0, %c0_i32 : i32, i32
  }
  func.func @transform_1(%arg0: i32) -> (i32, i32) {
    %c0_i32 = arith.constant 0 : i32
    %c0_i32_0 = arith.constant 0 : i32
    return %arg0, %c0_i32 : i32, i32
  }
  func.func @transform_2(%arg0: i32) -> (i32, i32) {
    %c0_i32 = arith.constant 0 : i32
    %c0_i32_0 = arith.constant 0 : i32
    %c0_i32_1 = arith.constant 0 : i32
    return %c0_i32, %c0_i32_0 : i32, i32
  }
  func.func @transform_3(%arg0: i32) -> (i32, i32) {
    %c0_i32 = arith.constant 0 : i32
    %c0_i32_0 = arith.constant 0 : i32
    %c0_i32_1 = arith.constant 0 : i32
    return %c0_i32, %c0_i32_0 : i32, i32
  }
  func.func @transform_4(%arg0: i32) -> (i32, i32) {
    %c0_i32 = arith.constant 0 : i32
    %c0_i32_0 = arith.constant 0 : i32
    %c0_i32_1 = arith.constant 0 : i32
    return %c0_i32, %c0_i32_0 : i32, i32
  }
  func.func @transform_5(%arg0: i32) -> (i32, i32) {
    %c0_i32 = arith.constant 0 : i32
    %c0_i32_0 = arith.constant 0 : i32
    %c0_i32_1 = arith.constant 0 : i32
    return %c0_i32, %c0_i32_0 : i32, i32
  }
  func.func @transform_6(%arg0: i32) -> (i32, i32) {
    %c0_i32 = arith.constant 0 : i32
    %c0_i32_0 = arith.constant 0 : i32
    %c0_i32_1 = arith.constant 0 : i32
    return %c0_i32, %c0_i32_0 : i32, i32
  }
  func.func @transform_7(%arg0: i32) -> (i32, i32) {
    %c0_i32 = arith.constant 0 : i32
    %c0_i32_0 = arith.constant 0 : i32
    %c0_i32_1 = arith.constant 0 : i32
    return %c0_i32, %c0_i32_0 : i32, i32
  }
  func.func @transform_8(%arg0: i32) -> (i32, i32) {
    %c0_i32 = arith.constant 0 : i32
    %c0_i32_0 = arith.constant 0 : i32
    return %arg0, %c0_i32 : i32, i32
  }
}

module attributes {stable_mosaic.version = 14 : i64} {
  func.func @body(%arg0: memref<2x10112x128xf32, #tpu.memory_space<vmem>>, %arg1: memref<10112x128xf32, #tpu.memory_space<vmem>>) attributes {dimension_semantics = [], scalar_prefetch = 0 : i64, scratch_operands = 0 : i64, tpu.core_type = #tpu.core_type<tc>} {
    %get3A = arith.constant 0 : index
    %get3A_0 = arith.constant 0 : index
    %get3A_1 = arith.constant 0 : index
    %get3A_2 = vector.load %arg0[%get3A, %get3A_0, %get3A_1] : memref<2x10112x128xf32, #tpu.memory_space<vmem>>, vector<2x10112x128xf32>
    %slice3A = vector.extract_strided_slice %get3A_2 {offsets = [0, 0, 0], sizes = [1, 10112, 128], strides = [1, 1, 1]} : vector<2x10112x128xf32> to vector<1x10112x128xf32>
    %squeeze3A = vector.shape_cast %slice3A : vector<1x10112x128xf32> to vector<10112x128xf32>
    %slice3A_3 = vector.extract_strided_slice %get3A_2 {offsets = [1, 0, 0], sizes = [1, 10112, 128], strides = [1, 1, 1]} : vector<2x10112x128xf32> to vector<1x10112x128xf32>
    %squeeze3A_4 = vector.shape_cast %slice3A_3 : vector<1x10112x128xf32> to vector<10112x128xf32>
    %add3A = arith.addf %squeeze3A, %squeeze3A_4 : vector<10112x128xf32>
    %max3A = arith.constant 1.000000e+00 : f32
    %max3A_5 = vector.broadcast %max3A : f32 to vector<10112x128xf32>
    %max3A_6 = arith.maximumf %add3A, %max3A_5 : vector<10112x128xf32>
    %div3A = arith.constant 1.000000e+00 : f32
    %div3A_7 = vector.broadcast %div3A : f32 to vector<10112x128xf32>
    %div3A_8 = arith.divf %div3A_7, %max3A_6 : vector<10112x128xf32>
    %swap3A = arith.constant 0 : index
    %swap3A_9 = arith.constant 0 : index
    %swap3A_10 = vector.load %arg1[%swap3A, %swap3A_9] : memref<10112x128xf32, #tpu.memory_space<vmem>>, vector<10112x128xf32>
    tpu.vector_store %arg1[%swap3A, %swap3A_9], %div3A_8 {strides = array<i32>} : memref<10112x128xf32, #tpu.memory_space<vmem>>, vector<10112x128xf32>,
    return
  }
}

module attributes {stable_mosaic.version = 14 : i64} {
  func.func @body(%arg0: i32, %arg1: memref<2000x128xf32, #tpu.memory_space<vmem>>, %arg2: memref<2x2000x128xf32, #tpu.memory_space<vmem>>, %arg3: memref<2000x128xf32, #tpu.memory_space<vmem>>, %arg4: memref<128x128xf32, #tpu.memory_space<vmem>>, %arg5: memref<1x128xf32, #tpu.memory_space<vmem>>, %arg6: memref<1x1xf32, #tpu.memory_space<vmem>>, %arg7: memref<1x1xf32, #tpu.memory_space<vmem>>, %arg8: memref<2000x128xf32, #tpu.memory_space<vmem>>) attributes {dimension_semantics = [#tpu.dimension_semantics<arbitrary>], iteration_bounds = array<i64: 5>, scalar_prefetch = 0 : i64, scratch_operands = 0 : i64, tpu.core_type = #tpu.core_type<tc>, window_params = [{transform_indices = @transform_0, window_bounds = array<i64: 2000, 128>}, {transform_indices = @transform_1, window_bounds = array<i64: 2, 2000, 128>}, {transform_indices = @transform_2, window_bounds = array<i64: 2000, 128>}, {pipeline_mode = #tpu.pipeline_mode<synchronous>, transform_indices = @transform_3, window_bounds = array<i64: 128, 128>}, {pipeline_mode = #tpu.pipeline_mode<synchronous>, transform_indices = @transform_4, window_bounds = array<i64: 1, 128>}, {pipeline_mode = #tpu.pipeline_mode<synchronous>, transform_indices = @transform_5, window_bounds = array<i64: 1, 1>}, {pipeline_mode = #tpu.pipeline_mode<synchronous>, transform_indices = @transform_6, window_bounds = array<i64: 1, 1>}, {transform_indices = @transform_7, window_bounds = array<i64: 2000, 128>}]} {
    %get3A = arith.constant 0 : index
    %get3A_0 = arith.constant 0 : index
    %get3A_1 = vector.load %arg6[%get3A, %get3A_0] : memref<1x1xf32, #tpu.memory_space<vmem>>, vector<1x1xf32>
    %get3A_2 = vector.extract %get3A_1[0, 0] : f32 from vector<1x1xf32>
    %get3A_3 = arith.constant 0 : index
    %get3A_4 = arith.constant 0 : index
    %get3A_5 = vector.load %arg7[%get3A_3, %get3A_4] : memref<1x1xf32, #tpu.memory_space<vmem>>, vector<1x1xf32>
    %get3A_6 = vector.extract %get3A_5[0, 0] : f32 from vector<1x1xf32>
    %get3A_7 = arith.constant 0 : index
    %get3A_8 = arith.constant 0 : index
    %get3A_9 = arith.constant 0 : index
    %get3A_10 = vector.load %arg2[%get3A_7, %get3A_8, %get3A_9] : memref<2x2000x128xf32, #tpu.memory_space<vmem>>, vector<2x2000x128xf32>
    %slice3A = vector.extract_strided_slice %get3A_10 {offsets = [0, 0, 0], sizes = [1, 2000, 128], strides = [1, 1, 1]} : vector<2x2000x128xf32> to vector<1x2000x128xf32>
    %squeeze3A = vector.shape_cast %slice3A : vector<1x2000x128xf32> to vector<2000x128xf32>
    %slice3A_11 = vector.extract_strided_slice %get3A_10 {offsets = [1, 0, 0], sizes = [1, 2000, 128], strides = [1, 1, 1]} : vector<2x2000x128xf32> to vector<1x2000x128xf32>
    %squeeze3A_12 = vector.shape_cast %slice3A_11 : vector<1x2000x128xf32> to vector<2000x128xf32>
    %add3A = arith.addf %squeeze3A, %squeeze3A_12 : vector<2000x128xf32>
    %get3A_13 = arith.constant 0 : index
    %get3A_14 = arith.constant 0 : index
    %get3A_15 = vector.load %arg1[%get3A_13, %get3A_14] : memref<2000x128xf32, #tpu.memory_space<vmem>>, vector<2000x128xf32>
    %mul3A = vector.broadcast %get3A_2 : f32 to vector<2000x128xf32>
    %mul3A_16 = arith.mulf %mul3A, %get3A_15 : vector<2000x128xf32>
    %get3A_17 = arith.constant 0 : index
    %get3A_18 = arith.constant 0 : index
    %get3A_19 = vector.load %arg3[%get3A_17, %get3A_18] : memref<2000x128xf32, #tpu.memory_space<vmem>>, vector<2000x128xf32>
    %mul3A_20 = arith.mulf %add3A, %get3A_19 : vector<2000x128xf32>
    %mul3A_21 = vector.broadcast %get3A_6 : f32 to vector<2000x128xf32>
    %mul3A_22 = arith.mulf %mul3A_21, %mul3A_20 : vector<2000x128xf32>
    %add3A_23 = arith.addf %mul3A_16, %mul3A_22 : vector<2000x128xf32>
    %get3A_24 = arith.constant 0 : index
    %get3A_25 = arith.constant 0 : index
    %get3A_26 = vector.load %arg4[%get3A_24, %get3A_25] : memref<128x128xf32, #tpu.memory_space<vmem>>, vector<128x128xf32>
    %dot_general3A = arith.constant dense<0.000000e+00> : vector<2000x128xf32>
    %dot_general3A_27 = tpu.matmul %add3A_23, %get3A_26, %dot_general3A {dimension_numbers = #tpu.dot_dimension_numbers<[1], [1], [0], [0], [0, 0, 1, 0], [], []>, transpose_lhs_hint = false} : vector<2000x128xf32>, vector<128x128xf32>, vector<2000x128xf32> -> vector<2000x128xf32>
    %get3A_28 = arith.constant 0 : index
    %get3A_29 = arith.constant 0 : index
    %get3A_30 = vector.load %arg5[%get3A_28, %get3A_29] : memref<1x128xf32, #tpu.memory_space<vmem>>, vector<1x128xf32>
    %add3A_31 = vector.broadcast %get3A_30 : vector<1x128xf32> to vector<2000x128xf32>
    %add3A_32 = arith.addf %dot_general3A_27, %add3A_31 : vector<2000x128xf32>
    %ge3A = arith.constant 0.000000e+00 : f32
    %ge3A_33 = vector.broadcast %ge3A : f32 to vector<2000x128xf32>
    %ge3A_34 = arith.cmpf oge, %add3A_32, %ge3A_33 : vector<2000x128xf32>
    %mul3A_35 = arith.constant 0.00999999977 : f32
    %mul3A_36 = vector.broadcast %mul3A_35 : f32 to vector<2000x128xf32>
    %mul3A_37 = arith.mulf %mul3A_36, %add3A_32 : vector<2000x128xf32>
    %select_n3A = arith.select %ge3A_34, %add3A_32, %mul3A_37 : vector<2000x128xi1>, vector<2000x128xf32>
    %swap3A = arith.constant 0 : index
    %swap3A_38 = arith.constant 0 : index
    %swap3A_39 = vector.load %arg8[%swap3A, %swap3A_38] : memref<2000x128xf32, #tpu.memory_space<vmem>>, vector<2000x128xf32>
    tpu.vector_store %arg8[%swap3A, %swap3A_38], %select_n3A {strides = array<i32>} : memref<2000x128xf32, #tpu.memory_space<vmem>>, vector<2000x128xf32>,
    return
  }
  func.func @transform_0(%arg0: i32) -> (i32, i32) {
    %c0_i32 = arith.constant 0 : i32
    %c0_i32_0 = arith.constant 0 : i32
    return %arg0, %c0_i32 : i32, i32
  }
  func.func @transform_1(%arg0: i32) -> (i32, i32, i32) {
    %c0_i32 = arith.constant 0 : i32
    %c0_i32_0 = arith.constant 0 : i32
    %c0_i32_1 = arith.constant 0 : i32
    return %c0_i32, %arg0, %c0_i32_0 : i32, i32, i32
  }
  func.func @transform_2(%arg0: i32) -> (i32, i32) {
    %c0_i32 = arith.constant 0 : i32
    %c0_i32_0 = arith.constant 0 : i32
    return %arg0, %c0_i32 : i32, i32
  }
  func.func @transform_3(%arg0: i32) -> (i32, i32) {
    %c0_i32 = arith.constant 0 : i32
    %c0_i32_0 = arith.constant 0 : i32
    %c0_i32_1 = arith.constant 0 : i32
    return %c0_i32, %c0_i32_0 : i32, i32
  }
  func.func @transform_4(%arg0: i32) -> (i32, i32) {
    %c0_i32 = arith.constant 0 : i32
    %c0_i32_0 = arith.constant 0 : i32
    %c0_i32_1 = arith.constant 0 : i32
    return %c0_i32, %c0_i32_0 : i32, i32
  }
  func.func @transform_5(%arg0: i32) -> (i32, i32) {
    %c0_i32 = arith.constant 0 : i32
    %c0_i32_0 = arith.constant 0 : i32
    %c0_i32_1 = arith.constant 0 : i32
    return %c0_i32, %c0_i32_0 : i32, i32
  }
  func.func @transform_6(%arg0: i32) -> (i32, i32) {
    %c0_i32 = arith.constant 0 : i32
    %c0_i32_0 = arith.constant 0 : i32
    %c0_i32_1 = arith.constant 0 : i32
    return %c0_i32, %c0_i32_0 : i32, i32
  }
  func.func @transform_7(%arg0: i32) -> (i32, i32) {
    %c0_i32 = arith.constant 0 : i32
    %c0_i32_0 = arith.constant 0 : i32
    return %arg0, %c0_i32 : i32, i32
  }
}

</mosaic_0001>

<sc_bundles>
// kernel: body.8.cloned.1.call-start
scs
__scs_entry_jumppad:
0x0: {  	(pc) =	sbr.rel $0x88, $3  }
0x1: {  	(tag) =	ssettag $0x0;
	lr =	simm.s32 $0x1  }
0x2: {  	[smem:$0x3F95] =	sst lr;
	_ =	strace $0xD0000000  }
0x3: {  	_ = 	snop  }
0x4: {  	_ = 	snop  }
0x5: {  	_ = 	snop  }
0x6: {  	_ = 	snop  }
0x7: {  	_ = 	snop  }
__scs_overlays_trampoline_lowered:
0x8: {  	[smem:$0x3FA4] =	sst s0  }
0x9: {  	[smem:$0x3FA5] =	sst s1  }
0xa: {  	[smem:$0x3FA6] =	sst s2  }
0xb: {  	[smem:$0x3FA7] =	sst s3  }
0xc: {  	[smem:$0x3FA8] =	sst s4  }
0xd: {  	[smem:$0x3FA9] =	sst s5  }
0xe: {  	[smem:$0x3FAA] =	sst s6  }
0xf: {  	[smem:$0x3FAB] =	sst s7  }
0x10: {  	[smem:$0x3FAC] =	sst s8  }
0x11: {  	[smem:$0x3FAD] =	sst s9;
	s0 =	simm.s32 @!p0 $0x0  }
0x12: {  	s1 =	sld [smem:$0x3F93];
	s0 =	simm.s32 @p0 $0x1  }
0x13: {  	[smem:$0x3FAE] =	sst s0;
	s0 =	simm.s32 @!p1 $0x0  }
0x14: {  	s2 =	sld [smem:$0x3F92];
	s0 =	simm.s32 @p1 $0x1  }
0x15: {  	[smem:$0x3FAF] =	sst s0;
	s0 =	simm.s32 @!p2 $0x0  }
0x16: {  	s3 =	sld [smem:$0x3FDB];
	s0 =	simm.s32 @p2 $0x1  }
0x17: {  	s4 =	simm.s32 $0x1BF5;
	[smem:$0x3FB1] =	sst s0  }
0x18: {  	s0 =	sld [smem:$0x3F94];
	_ =	swait.ge [sflag:s4], $0x0  }
0x19: {  	s7 =	sld [smem:$0x3F95]  }
0x1a: {  	s8 =	sadd.s32 $0xFFFFE003, lr  }
0x1b: {  	s9 =	sadd.s32 $0xFFFFFEF7, lr;
	s5 =	simm.s32 $0xFFFFFFFF;
	p2 =	slt.u32 s8, $0xFFFFF086  }
0x1c: {  	p1 =	slt.u32 s9, $0xF7A;
	s5 =	simm.s32 @!p2 $0x0  }
0x1d: {  	s5 =	simm.s32 @p1 $0x1;
	p0 =	seq.s32 s7, s2  }
0x1e: {  	s7 =	smul.u32 @!p0 $0xF7A, s2;
	p2 =	seq.s32 @!p0 s5, $0x0  }
0x1f: {  	s9 =	smul.u32 $0xF7A, s1;
	s8 =	simm.s32 @!p0 $0x1BF5;
	p2 =	por !p2, p0  }
0x20: {  	[sflag:s8] =	ssyncset.s32 @!p0 $0xFFFFF086;
	s6 =	sadd.s32 @!p0 s3, s7;
	s7 =	simm.s32 @!p0 $0x108  }
0x21: {  	s3 =	sadd.s32 s3, s9;
	s6 =	sadd.s32 @!p0 $0x88, s6;
	s7 =	simm.s32 @p2 $0x1082  }
0x22: {  	[simem:s7], [sflag:s8] =	dma.local @!p0 [hbm:s6], $0xF7A  }
0x23: {  	s9 =	sor.u32 $0xD0000000, s2;
	s6 =	simm.s32 $0x108;
	_ =	swait.ge @!p0 [sflag:s8], $0x0  }
0x24: {  	s3 =	sadd.s32 $0x88, s3;
	s6 =	simm.s32 @!p1 $0x1082;
	[sflag:s4] =	ssyncset.s32 $0xFFFFF086  }
0x25: {  	[simem:s6], [sflag:s4] =	dma.local [hbm:s3], $0xF7A  }
0x26: {  	[smem:$0x3F95] =	sst s1;
	(tag) =	ssettag s2;
	_ =	strace s9  }
0x27: {  	s1 =	sld [smem:$0x3FA5]  }
0x28: {  	s2 =	sld [smem:$0x3FA6]  }
0x29: {  	s4 =	sld [smem:$0x3FA8]  }
0x2a: {  	p0 =	seq.s32 s5, $0x0;
	s5 =	sld [smem:$0x3FA9]  }
0x2b: {  	s6 =	sld [smem:$0x3FAA]  }
0x2c: {  	s7 =	sld [smem:$0x3FAB]  }
0x2d: {  	s3 =	simm.s32 $0x108;
	s8 =	sld [smem:$0x3FAC]  }
0x2e: {  	s3 =	simm.s32 @!p0 $0x1082;
	s9 =	sld [smem:$0x3FAD]  }
0x2f: {  	lr =	sadd.s32 s0, s3;
	s0 =	sld [smem:$0x3FA4]  }
0x30: {  	s3 =	sld [smem:$0x3FA7]  }
0x31: {  	[smem:$0x3FB0] =	sst s10  }
0x32: {  	s10 =	sld [smem:$0x3FAE];
	_ =	sdelay $0x3  }
0x33: {  	p0 =	seq.s32 s10, $0x1;
	s10 =	sld [smem:$0x3FB0];
	_ =	sdelay $0x3  }
0x34: {  	[smem:$0x3FB0] =	sst s10  }
0x35: {  	s10 =	sld [smem:$0x3FAF];
	_ =	sdelay $0x3  }
0x36: {  	p1 =	seq.s32 s10, $0x1;
	s10 =	sld [smem:$0x3FB0];
	_ =	sdelay $0x3  }
0x37: {  	[smem:$0x3FB0] =	sst s10  }
0x38: {  	s10 =	sld [smem:$0x3FB1]  }
0x39: {  	_ = 	snop;
	(pc) =	sbr.ind lr, $3  }
0x3a: {  	_ = 	snop  }
0x3b: {  	_ = 	snop  }
0x3c: {  	p2 =	seq.s32 s10, $0x1;
	s10 =	sld [smem:$0x3FB0]  }
0x3d: {  	_ =	shalt  }
0x3e: {  	_ =	shalt  }
0x3f: {  	_ =	shalt  }
0x40: {  	_ =	shalt  }
0x41: {  	_ =	shalt  }
0x42: {  	_ =	shalt  }
0x43: {  	_ =	shalt  }
0x44: {  	_ =	shalt  }
0x45: {  	_ =	shalt  }
0x46: {  	_ =	shalt  }
0x47: {  	_ =	shalt  }
0x48: {  	_ =	shalt  }
0x49: {  	_ =	shalt  }
0x4a: {  	_ =	shalt  }
0x4b: {  	_ =	shalt  }
0x4c: {  	_ =	shalt  }
0x4d: {  	_ =	shalt  }
0x4e: {  	_ =	shalt  }
0x4f: {  	_ =	shalt  }
0x50: {  	_ =	shalt  }
0x51: {  	_ =	shalt  }
0x52: {  	_ =	shalt  }
0x53: {  	_ =	shalt  }
0x54: {  	_ =	shalt  }
0x55: {  	_ =	shalt  }
0x56: {  	_ =	shalt  }
0x57: {  	_ =	shalt  }
0x58: {  	_ =	shalt  }
0x59: {  	_ =	shalt  }
0x5a: {  	_ =	shalt  }
0x5b: {  	_ =	shalt  }
0x5c: {  	_ =	shalt  }
0x5d: {  	_ =	shalt  }
0x5e: {  	_ =	shalt  }
0x5f: {  	_ =	shalt  }
0x60: {  	_ =	shalt  }
0x61: {  	_ =	shalt  }
0x62: {  	_ =	shalt  }
0x63: {  	_ =	shalt  }
0x64: {  	_ =	shalt  }
0x65: {  	_ =	shalt  }
0x66: {  	_ =	shalt  }
0x67: {  	_ =	shalt  }
0x68: {  	_ =	shalt  }
0x69: {  	_ =	shalt  }
0x6a: {  	_ =	shalt  }
0x6b: {  	_ =	shalt  }
0x6c: {  	_ =	shalt  }
0x6d: {  	_ =	shalt  }
0x6e: {  	_ =	shalt  }
0x6f: {  	_ =	shalt  }
0x70: {  	_ =	shalt  }
0x71: {  	_ =	shalt  }
0x72: {  	_ =	shalt  }
0x73: {  	_ =	shalt  }
0x74: {  	_ =	shalt  }
0x75: {  	_ =	shalt  }
0x76: {  	_ =	shalt  }
0x77: {  	_ =	shalt  }
0x78: {  	_ =	shalt  }
0x79: {  	_ =	shalt  }
0x7a: {  	_ =	shalt  }
0x7b: {  	_ =	shalt  }
0x7c: {  	_ =	shalt  }
0x7d: {  	_ =	shalt  }
0x7e: {  	_ =	shalt  }
0x7f: {  	_ =	shalt  }
0x80: {  	_ =	shalt  }
0x81: {  	_ =	shalt  }
0x82: {  	_ =	shalt  }
0x83: {  	_ =	shalt  }
0x84: {  	_ =	shalt  }
0x85: {  	_ =	shalt  }
0x86: {  	_ =	shalt  }
0x87: {  	_ =	shalt  }
.Lfunc_end0:
.L_simem_size_0:
called_computation_lowered:
.L_overlay_start_0:
0x88: {  	s2 =	sld [smem:$0x3FD9]  }
0x89: {  	s3 =	sld [smem:$0x3FFE];
	_ =	sdelay $0x1  }
0x8a: {  	s1 =	srdreg.scid  }
0x8b: {  	s0 =	sand.u32 $0x1, s1  }
0x8c: {  	s17 =	sshll.u32 s0, $0xA;
	s2 =	sadd.s32 s3, s2  }
0x8d: {  	s2 =	sadd.s32 s2, s17  }
0x8e: {  	[smem:$0x3FBC] =	sst s2  }
0x8f: {  	_ = 	snop  }
0x90: {  	s2 =	sld [smem:$0x3FD0];
	(tm) =	ssettm $0x1  }
0x91: {  	s18 =	sld [smem:$0x3FFB];
	_ =	sdelay $0x3  }
0x92: {  	_ =	strace s18  }
0x93: {  	s3 =	sld [smem:$0x3FFC];
	_ =	sdelay $0x3  }
0x94: {  	_ =	strace s3  }
0x95: {  	s3 =	sld [smem:$0x3FFD];
	_ =	sdelay $0x3  }
0x96: {  	_ =	strace s3  }
0x97: {  	_ =	strace $0x8FFFFFFF  }
0x98: {  	s19 =	sld [smem:$0x3FDB];
	_ =	sdelay $0x1  }
0x99: {  	s4 =	simm.s32 $_scs_section_size  }
0x9a: {  	s5 =	simm.s32 $_size__tile_overlayer_lowered;
	s6 =	simm.s32 $_tile_overlayer_lowered  }
0x9b: {  	s22 =	simm.s32 $0x1BFF;
	s21 =	sshll.u32 s6, $0x1;
	s3 =	sadd.s32 s4, s19  }
0x9c: {  	s7 =	simm.s32 $0x0;
	s20 =	sshll.u32 s5, $0x1;
	s5 =	sadd.s32 s21, s3  }
0x9d: {  	[timem:s7], [sflag:s22] =	dma.local [hbm:s5], s20  }
0x9e: {  	_ =	swait.ge [sflag:s22], s20  }
0x9f: {  	s4 =	ssub.s32 $0x0, s20;
	[sflag:s22] =	ssyncset.done $0x0  }
0xa0: {  	[sflag:s22] =	ssyncadd.s32 s4;
	_ =	sdelay $0x1  }
0xa1: {  	s23 =	simm.s32 $0x1B8B  }
0xa2: {  	_ =	swait.ge [sflag:s23], $0x1  }
0xa3: {  	[sflag:s23] =	ssyncset.done $0x0  }
0xa4: {  	s25 =	simm.s32 $0x1B8E;
	s24 =	sld [smem:$0x3FFE];
	[sflag:s23] =	ssyncadd.s32 $0xFFFFFFFF  }
0xa5: {  	s26 =	simm.s32 $execute0_lowered;
	[smem:$0x3FD2] =	sst s25  }
0xa6: {  	s5 =	sshll.u32 s26, $0x1;
	_ =	strace $0x80000049;
	[dreg:$0x1] =	wrdreg $0xFFFFFFFF  }
0xa7: {  	s28 =	simm.s32 $_size_execute0_lowered;
	s3 =	sadd.s32 s3, s5;
	[dreg:$0x0] =	wrdreg $0x0  }
0xa8: {  	s5 =	sshll.u32 s28, $0x1;
	[dreg:$0x2] =	wrdreg s3  }
0xa9: {  	[dreg:$0x3] =	wrdreg s5  }
0xaa: {  	[dreg:$0x4] =	wrdreg $0xC0  }
0xab: {  	_ =	task [dreg:s7], $0x5FFFF  }
0xac: {  	[dreg:$0x1] =	wrdreg $0xFFFFFFFF  }
0xad: {  	[dreg:$0x0] =	wrdreg $0x60  }
0xae: {  	[dreg:$0x2] =	wrdreg s2  }
0xaf: {  	[dreg:$0x3] =	wrdreg s24  }
0xb0: {  	[dreg:$0x4] =	wrdreg $0xA8000  }
0xb1: {  	[dreg:$0x5] =	wrdreg $0x9  }
0xb2: {  	_ =	task.clear_ibuf [dreg:s7], $0x6FFFF;
	_ =	strace $0x90000049  }
0xb3: {  	s29 =	simm.s32 $0x9;
	_ =	strace $0x8000004B  }
0xb4: {  	_ =	swait.ge [sflag:s29], $0x1  }
0xb5: {  	[sflag:s29] =	ssyncadd.s32 $0xFFFFFFFF  }
0xb6: {  	_ =	strace $0x9000004B  }
0xb7: {  	_ =	sfence  }
0xb8: {  	s30 =	sld [smem:$0x0];
	_ =	sdelay $0x2  }
0xb9: {  	s31 =	sshll.u32 s1, $0xD;
	s1 =	sshrl.u32 s1, $0x2  }
0xba: {  	s3 =	sand.u32 $0x4000, s31;
	s1 =	sadd.s32 s1, s30  }
0xbb: {  	s0 =	sor.u32 s3, s0;
	s1 =	sshll.u32 s1, $0x11  }
0xbc: {  	s0 =	sor.u32 s1, s0  }
0xbd: {  	s0 =	sadd.s32 $0x8F2B, s0  }
0xbe: {  	[sflag:s0] =	ssyncadd.remote.s32 $0x1  }
0xbf: {  	_ =	sfence.sel $0xFFFF  }
0xc0: {  	[dreg:$0x0] =	wrdreg $0xFFFFFFFF;
	(pc) =	sbr.abs _section_cstart, $3  }
0xc1: {  	[dreg:$0x1] =	wrdreg $0xFFFFFFFF  }
0xc2: {  	_ =	task.clear_ibuf [dreg:s7], $0x2FFFF;
	_ =	strace $0x9FFFFFFF  }
0xc3: {  	(tm) =	ssettm $0x7FFFFFFF  }
tec
execute0_lowered:
.L_overlay_start_1:
0x0: {  	(tag) =	ssettag $0x1  }
0x1: {  	s1 =	rddreg [dreg:$0x0]  }
0x2: {  	s0 =	rddreg [dreg:$0x1]  }
0x3: {  	s2 =	rddreg [dreg:$0x2];
	s3 =	srdreg.scid  }
0x4: {  	s4 =	simm.s32 $0x0;
	s12 =	stileid.u32;
	s13 =	simm.s32 $0x400  }
0x5: {  	s30 =	simm.s32 $0x80;
	s14 =	simm.s32 $0x100;
	s28 =	simm.s32 $0x3  }
0x6: {  	s29 =	simm.s32 $0x4;
	s31 =	simm.s32 $0x5;
	s15 =	simm.s32 $0x680  }
0x7: {  	s3 =	sand.u32 $0x1, s3;
	[smem:$0x7FF] =	sst s4;
	s6 =	smul.u32 $0x13C00, s12  }
0x8: {  	s7 =	sadd.s32 $0x13400, s0;
	s8 =	sadd.s32 $0x3400, s0;
	s16 =	sadd.s32 $0x23400, s0  }
0x9: {  	s9 =	sshll.u32 s12, $0xB;
	s10 =	smul.u32 $0x4F000, s12;
	s22 =	sshll.u32 s12, $0x6  }
0xa: {  	s5 =	smul.u32 $0x13C000, s3;
	_ =	strace $0x8000004A;
	[dreg:$0x6] =	wrdreg s16  }
0xb: {  	s17 =	ssub.s32 $0x2, s3;
	s3 =	sshll.u32 s3, $0xF;
	s12 =	sor.u32 $0x1C0B, s22  }
0xc: {  	s16 =	simm.s32 $0x1;
	s22 =	simm.s32 $0x5800;
	s18 =	sshrl.u32 s17, $0x1  }
0xd: {  	s11 =	sor.u32 s9, s3;
	s20 =	sshrl.u32 s10, $0x2;
	s24 =	sadd.s32 s3, s7  }
0xe: {  	s3 =	sadd.s32 s3, s8;
	s10 =	simm.s32 $0xB;
	[dreg:$0x9] =	wrdreg s12  }
0xf: {  	s5 =	sadd.s32 s6, s5;
	s19 =	sadd.s32 s7, s11;
	s21 =	sadd.s32 s8, s11  }
0x10: {  	s6 =	sadd.s32 s20, s2;
	s23 =	sor.u32 $0x7C0, s11;
	s25 =	sadd.s32 s9, s24  }
0x11: {  	s3 =	sadd.s32 s9, s3;
	s20 =	simm.s32 $0x3000;
	[dreg:$0x7] =	wrdreg s19  }
0x12: {  	s24 =	simm.s32 $0x8000;
	s9 =	simm.s32 $0x8;
	[dreg:$0x8] =	wrdreg s21  }
0x13: {  	s11 =	simm.s32 $0x9;
	s5 =	sshrl.u32 s5, $0x3;
	[dreg:$0x4] =	wrdreg s25  }
0x14: {  	s7 =	sadd.s32 s7, s23;
	s8 =	sadd.s32 s8, s23;
	[dreg:$0x5] =	wrdreg s3  }
0x15: {  	s25 =	simm.s32 $0x200;
	s3 =	simm.s32 $0x6;
	s19 =	simm.s32 $0x700  }
0x16: {  	s21 =	simm.s32 $0x780;
	s23 =	simm.s32 $0x0;
	[dreg:$0xa] =	wrdreg s7  }
0x17: {  	s0 =	sadd.s32 s5, s0;
	s5 =	ssub.s32 s17, s18;
	[dreg:$0xb] =	wrdreg s8  }
0x18: {  	s17 =	simm.s32 $0x50;
	s18 =	simm.s32 $0x800;
	s0 =	sadd.s32 $0x55400, s0  }
0x19: {  	s7 =	simm.s32 $0x7;
	s26 =	smax.u32 s5, $0x1;
	[dreg:$0xc] =	wrdreg s0  }
0x1a: {  	s8 =	simm.s32 $0xA;
	s5 =	sshrl.u32 s6, $0x3;
	[dreg:$0xd] =	wrdreg s26  }
0x1b: {  	s6 =	simm.s32 $0x2;
	s26 =	simm.s32 $0x600;
	[dreg:$0xe] =	wrdreg s5  }
.LBB2_1:
0x1c: {  	[dreg:$0xf] =	wrdreg s23  }
0x1d: {  	s0 =	rddreg [dreg:$0x7]  }
0x1e: {  	[tilespmem:s4], [sflag:$0x1] =	stream.linear.gather [hbm4b:s0+s4], $0x200, $0x38;
	[tilespmem:$0x1E400] =	vst v63  }
0x1f: {  	s23 =	rddreg [dreg:$0x8]  }
0x20: {  	[tilespmem:s13], [sflag:$0x1] =	stream.linear.gather [hbm4b:s23+s4], $0x200, $0x38;
	[tilespmem:$0x1E400] =	vst v63  }
0x21: {  	s23 =	rddreg [dreg:$0x6]  }
0x22: {  	[spmem:s5], [sflag:s12] =	dma.local [hbm:s23], $0x2780  }
0x23: {  	_ =	swait.ge [sflag:s10], $0x2780  }
0x24: {  	[sflag:s10] =	ssyncset.done $0x0  }
0x25: {  	[sflag:s10] =	ssyncadd.s32 $0xFFFFD880  }
0x26: {  	[bflag:$0x0] =	sbarrier.arrive $0xFFFF  }
0x27: {  	_ =	swait.ge [sflag:s16], $0x200  }
0x28: {  	[sflag:s16] =	ssyncset.done $0x0  }
0x29: {  	[sflag:s16] =	ssyncadd.s32 $0xFFFFFE00  }
0x2a: {  	_ =	swait.ge [sflag:s16], $0x200  }
0x2b: {  	[sflag:s16] =	ssyncset.done $0x0  }
0x2c: {  	[sflag:s16] =	ssyncadd.s32 $0xFFFFFE00  }
0x2d: {  	[tilespmem:s18], [sflag:$0x3] =	stream.indirect.gather [hbm4b:s1+s17], $0x80, s4, s17, $0xb8;
	[tilespmem:$0x1E400] =	vst v63  }
0x2e: {  	_ = 	snop  }
0x2f: {  	[tilespmem:s20], [sflag:$0x4] =	stream.indirect.gather [hbm4b:s1+s17], $0x80, s30, s17, $0xb8;
	[tilespmem:$0x1E400] =	vst v63  }
0x30: {  	s10 =	rddreg [dreg:$0x4]  }
0x31: {  	[tilespmem:s22], [sflag:$0x5] =	stream.indirect.gather [hbm4b:s1+s17], $0x80, s14, s17, $0xb8;
	[tilespmem:$0x1E400] =	vst v63  }
0x32: {  	s12 =	rddreg [dreg:$0x5];
	s0 =	sadd.s32 $0x0, s10;
	s30 =	simm.s32 $0x180  }
0x33: {  	[tilespmem:s24], [sflag:$0x6] =	stream.indirect.gather [hbm4b:s1+s17], $0x80, s30, s17, $0xb8;
	[tilespmem:$0x1E400] =	vst v63  }
0x34: {  	s23 =	sadd.s32 $0x0, s12;
	s10 =	sadd.s32 $0x40, s0  }
0x35: {  	[tilespmem:s25], [sflag:$0x2] =	stream.linear.gather [hbm4b:s10+s4], $0x200, $0x38;
	[tilespmem:$0x1E400] =	vst v63  }
0x36: {  	s12 =	sadd.s32 $0x40, s23  }
0x37: {  	[tilespmem:s26], [sflag:$0x2] =	stream.linear.gather [hbm4b:s12+s4], $0x200, $0x38;
	[tilespmem:$0x1E400] =	vst v63  }
0x38: {  	_ =	swait.ge [sflag:s28], $0x2800  }
0x39: {  	[sflag:s28] =	ssyncset.done $0x0  }
0x3a: {  	[sflag:s28] =	ssyncadd.s32 $0xFFFFD800  }
0x3b: {  	[spmem:s2] =	stream.indirect.scatter.add.f32 [tilespmem:s18], [sflag:$0x7], $0x80, s13, s17, $0xb8;
	[tilespmem:$0x1E400] =	vst v63  }
0x3c: {  	_ =	swait.ge [sflag:s29], $0x2800  }
0x3d: {  	[sflag:s29] =	ssyncset.done $0x0  }
0x3e: {  	s30 =	simm.s32 $0x480;
	[sflag:s29] =	ssyncadd.s32 $0xFFFFD800  }
0x3f: {  	[spmem:s2] =	stream.indirect.scatter.add.f32 [tilespmem:s20], [sflag:$0x8], $0x80, s30, s17, $0xb8;
	[tilespmem:$0x1E400] =	vst v63  }
0x40: {  	_ =	swait.ge [sflag:s31], $0x2800  }
0x41: {  	[sflag:s31] =	ssyncset.done $0x0  }
0x42: {  	s12 =	simm.s32 $0x500;
	[sflag:s31] =	ssyncadd.s32 $0xFFFFD800  }
0x43: {  	[spmem:s2] =	stream.indirect.scatter.add.f32 [tilespmem:s22], [sflag:$0x9], $0x80, s12, s17, $0xb8;
	[tilespmem:$0x1E400] =	vst v63  }
0x44: {  	_ =	swait.ge [sflag:s3], $0x2800  }
0x45: {  	[sflag:s3] =	ssyncset.done $0x0  }
0x46: {  	s30 =	simm.s32 $0x580;
	[sflag:s3] =	ssyncadd.s32 $0xFFFFD800  }
0x47: {  	[spmem:s2] =	stream.indirect.scatter.add.f32 [tilespmem:s24], [sflag:$0xA], $0x80, s30, s17, $0xb8;
	[tilespmem:$0x1E400] =	vst v63  }
0x48: {  	_ =	swait.ge [sflag:s6], $0x200  }
0x49: {  	[sflag:s6] =	ssyncset.done $0x0  }
0x4a: {  	[sflag:s6] =	ssyncadd.s32 $0xFFFFFE00  }
0x4b: {  	_ =	swait.ge [sflag:s6], $0x200  }
0x4c: {  	[sflag:s6] =	ssyncset.done $0x0  }
0x4d: {  	[sflag:s6] =	ssyncadd.s32 $0xFFFFFE00  }
0x4e: {  	_ =	swait.ge [sflag:s7], $0x2800  }
0x4f: {  	[sflag:s7] =	ssyncset.done $0x0  }
0x50: {  	[sflag:s7] =	ssyncadd.s32 $0xFFFFD800  }
0x51: {  	[tilespmem:s18], [sflag:$0x3] =	stream.indirect.gather [hbm4b:s1+s17], $0x80, s25, s17, $0xb8;
	[tilespmem:$0x1E400] =	vst v63  }
0x52: {  	_ =	swait.ge [sflag:s9], $0x2800  }
0x53: {  	[sflag:s9] =	ssyncset.done $0x0  }
0x54: {  	s12 =	simm.s32 $0x280;
	[sflag:s9] =	ssyncadd.s32 $0xFFFFD800  }
0x55: {  	[tilespmem:s20], [sflag:$0x4] =	stream.indirect.gather [hbm4b:s1+s17], $0x80, s12, s17, $0xb8;
	[tilespmem:$0x1E400] =	vst v63  }
0x56: {  	_ =	swait.ge [sflag:s11], $0x2800  }
0x57: {  	[sflag:s11] =	ssyncset.done $0x0  }
0x58: {  	s30 =	simm.s32 $0x300;
	[sflag:s11] =	ssyncadd.s32 $0xFFFFD800  }
0x59: {  	[tilespmem:s22], [sflag:$0x5] =	stream.indirect.gather [hbm4b:s1+s17], $0x80, s30, s17, $0xb8;
	[tilespmem:$0x1E400] =	vst v63  }
0x5a: {  	_ =	swait.ge [sflag:s8], $0x2800  }
0x5b: {  	[sflag:s8] =	ssyncset.done $0x0  }
0x5c: {  	s12 =	simm.s32 $0x380;
	[sflag:s8] =	ssyncadd.s32 $0xFFFFD800  }
0x5d: {  	[tilespmem:s24], [sflag:$0x6] =	stream.indirect.gather [hbm4b:s1+s17], $0x80, s12, s17, $0xb8;
	[tilespmem:$0x1E400] =	vst v63  }
0x5e: {  	s0 =	sadd.s32 $0x80, s0  }
0x5f: {  	[tilespmem:s4], [sflag:$0x1] =	stream.linear.gather [hbm4b:s0+s4], $0x200, $0x38;
	[tilespmem:$0x1E400] =	vst v63  }
0x60: {  	s30 =	sadd.s32 $0x80, s23  }
0x61: {  	[tilespmem:s13], [sflag:$0x1] =	stream.linear.gather [hbm4b:s30+s4], $0x200, $0x38;
	[tilespmem:$0x1E400] =	vst v63  }
0x62: {  	_ =	swait.ge [sflag:s28], $0x2800  }
0x63: {  	[sflag:s28] =	ssyncset.done $0x0  }
0x64: {  	[sflag:s28] =	ssyncadd.s32 $0xFFFFD800  }
0x65: {  	[spmem:s2] =	stream.indirect.scatter.add.f32 [tilespmem:s18], [sflag:$0x7], $0x80, s26, s17, $0xb8;
	[tilespmem:$0x1E400] =	vst v63  }
0x66: {  	_ =	swait.ge [sflag:s29], $0x2800  }
0x67: {  	[sflag:s29] =	ssyncset.done $0x0  }
0x68: {  	[sflag:s29] =	ssyncadd.s32 $0xFFFFD800  }
0x69: {  	[spmem:s2] =	stream.indirect.scatter.add.f32 [tilespmem:s20], [sflag:$0x8], $0x80, s15, s17, $0xb8;
	[tilespmem:$0x1E400] =	vst v63  }
0x6a: {  	_ =	swait.ge [sflag:s31], $0x2800  }
0x6b: {  	[sflag:s31] =	ssyncset.done $0x0  }
0x6c: {  	[sflag:s31] =	ssyncadd.s32 $0xFFFFD800  }
0x6d: {  	[spmem:s2] =	stream.indirect.scatter.add.f32 [tilespmem:s22], [sflag:$0x9], $0x80, s19, s17, $0xb8;
	[tilespmem:$0x1E400] =	vst v63  }
0x6e: {  	_ =	swait.ge [sflag:s3], $0x2800  }
0x6f: {  	[sflag:s3] =	ssyncset.done $0x0  }
0x70: {  	[sflag:s3] =	ssyncadd.s32 $0xFFFFD800  }
0x71: {  	[spmem:s2] =	stream.indirect.scatter.add.f32 [tilespmem:s24], [sflag:$0xA], $0x80, s21, s17, $0xb8;
	[tilespmem:$0x1E400] =	vst v63  }
0x72: {  	_ =	swait.ge [sflag:s16], $0x200  }
0x73: {  	[sflag:s16] =	ssyncset.done $0x0  }
0x74: {  	[sflag:s16] =	ssyncadd.s32 $0xFFFFFE00  }
0x75: {  	_ =	swait.ge [sflag:s16], $0x200  }
0x76: {  	[sflag:s16] =	ssyncset.done $0x0  }
0x77: {  	[sflag:s16] =	ssyncadd.s32 $0xFFFFFE00  }
0x78: {  	_ =	swait.ge [sflag:s7], $0x2800  }
0x79: {  	[sflag:s7] =	ssyncset.done $0x0  }
0x7a: {  	[sflag:s7] =	ssyncadd.s32 $0xFFFFD800  }
0x7b: {  	[tilespmem:s18], [sflag:$0x3] =	stream.indirect.gather [hbm4b:s1+s17], $0x80, s4, s17, $0xb8;
	[tilespmem:$0x1E400] =	vst v63  }
0x7c: {  	_ =	swait.ge [sflag:s9], $0x2800  }
0x7d: {  	[sflag:s9] =	ssyncset.done $0x0  }
0x7e: {  	s5 =	simm.s32 $0x80;
	[sflag:s9] =	ssyncadd.s32 $0xFFFFD800  }
0x7f: {  	[tilespmem:s20], [sflag:$0x4] =	stream.indirect.gather [hbm4b:s1+s17], $0x80, s5, s17, $0xb8;
	[tilespmem:$0x1E400] =	vst v63  }
0x80: {  	_ =	swait.ge [sflag:s11], $0x2800  }
0x81: {  	[sflag:s11] =	ssyncset.done $0x0  }
0x82: {  	s14 =	simm.s32 $0x100;
	[sflag:s11] =	ssyncadd.s32 $0xFFFFD800  }
0x83: {  	[tilespmem:s22], [sflag:$0x5] =	stream.indirect.gather [hbm4b:s1+s17], $0x80, s14, s17, $0xb8;
	[tilespmem:$0x1E400] =	vst v63  }
0x84: {  	s23 =	simm.s32 $0x80;
	_ =	swait.ge [sflag:s8], $0x2800  }
.LBB2_2:
0x85: {  	s0 =	rddreg [dreg:$0x4]  }
0x86: {  	s5 =	smov.u32 s23;
	s10 =	rddreg [dreg:$0x5];
	[sflag:s8] =	ssyncset.done $0x0  }
0x87: {  	s12 =	simm.s32 $0x180;
	[sflag:s8] =	ssyncadd.s32 $0xFFFFD800;
	s30 =	sadd.s32 s5, s0  }
0x88: {  	[tilespmem:s24], [sflag:$0x6] =	stream.indirect.gather [hbm4b:s1+s17], $0x80, s12, s17, $0xb8;
	[tilespmem:$0x1E400] =	vst v63  }
0x89: {  	s0 =	sadd.s32 s5, s10;
	s12 =	sadd.s32 $0x40, s30  }
0x8a: {  	[tilespmem:s25], [sflag:$0x2] =	stream.linear.gather [hbm4b:s12+s4], $0x200, $0x38;
	[tilespmem:$0x1E400] =	vst v63  }
0x8b: {  	s5 =	sadd.s32 $0x40, s0  }
0x8c: {  	[tilespmem:s26], [sflag:$0x2] =	stream.linear.gather [hbm4b:s5+s4], $0x200, $0x38;
	[tilespmem:$0x1E400] =	vst v63  }
0x8d: {  	_ =	swait.ge [sflag:s28], $0x2800  }
0x8e: {  	[sflag:s28] =	ssyncset.done $0x0  }
0x8f: {  	[sflag:s28] =	ssyncadd.s32 $0xFFFFD800  }
0x90: {  	[spmem:s2] =	stream.indirect.scatter.add.f32 [tilespmem:s18], [sflag:$0x7], $0x80, s13, s17, $0xb8;
	[tilespmem:$0x1E400] =	vst v63  }
0x91: {  	_ =	swait.ge [sflag:s29], $0x2800  }
0x92: {  	[sflag:s29] =	ssyncset.done $0x0  }
0x93: {  	s12 =	simm.s32 $0x480;
	[sflag:s29] =	ssyncadd.s32 $0xFFFFD800  }
0x94: {  	[spmem:s2] =	stream.indirect.scatter.add.f32 [tilespmem:s20], [sflag:$0x8], $0x80, s12, s17, $0xb8;
	[tilespmem:$0x1E400] =	vst v63  }
0x95: {  	_ =	swait.ge [sflag:s31], $0x2800  }
0x96: {  	[sflag:s31] =	ssyncset.done $0x0  }
0x97: {  	s10 =	simm.s32 $0x500;
	[sflag:s31] =	ssyncadd.s32 $0xFFFFD800  }
0x98: {  	[spmem:s2] =	stream.indirect.scatter.add.f32 [tilespmem:s22], [sflag:$0x9], $0x80, s10, s17, $0xb8;
	[tilespmem:$0x1E400] =	vst v63  }
0x99: {  	_ =	swait.ge [sflag:s3], $0x2800  }
0x9a: {  	[sflag:s3] =	ssyncset.done $0x0  }
0x9b: {  	s12 =	simm.s32 $0x580;
	[sflag:s3] =	ssyncadd.s32 $0xFFFFD800  }
0x9c: {  	[spmem:s2] =	stream.indirect.scatter.add.f32 [tilespmem:s24], [sflag:$0xA], $0x80, s12, s17, $0xb8;
	[tilespmem:$0x1E400] =	vst v63  }
0x9d: {  	_ =	swait.ge [sflag:s6], $0x200  }
0x9e: {  	[sflag:s6] =	ssyncset.done $0x0  }
0x9f: {  	[sflag:s6] =	ssyncadd.s32 $0xFFFFFE00  }
0xa0: {  	_ =	swait.ge [sflag:s6], $0x200  }
0xa1: {  	[sflag:s6] =	ssyncset.done $0x0  }
0xa2: {  	[sflag:s6] =	ssyncadd.s32 $0xFFFFFE00  }
0xa3: {  	_ =	swait.ge [sflag:s7], $0x2800  }
0xa4: {  	[sflag:s7] =	ssyncset.done $0x0  }
0xa5: {  	[sflag:s7] =	ssyncadd.s32 $0xFFFFD800  }
0xa6: {  	[tilespmem:s18], [sflag:$0x3] =	stream.indirect.gather [hbm4b:s1+s17], $0x80, s25, s17, $0xb8;
	[tilespmem:$0x1E400] =	vst v63  }
0xa7: {  	_ =	swait.ge [sflag:s9], $0x2800  }
0xa8: {  	[sflag:s9] =	ssyncset.done $0x0  }
0xa9: {  	s10 =	simm.s32 $0x280;
	[sflag:s9] =	ssyncadd.s32 $0xFFFFD800  }
0xaa: {  	[tilespmem:s20], [sflag:$0x4] =	stream.indirect.gather [hbm4b:s1+s17], $0x80, s10, s17, $0xb8;
	[tilespmem:$0x1E400] =	vst v63  }
0xab: {  	_ =	swait.ge [sflag:s11], $0x2800  }
0xac: {  	[sflag:s11] =	ssyncset.done $0x0  }
0xad: {  	s12 =	simm.s32 $0x300;
	[sflag:s11] =	ssyncadd.s32 $0xFFFFD800  }
0xae: {  	[tilespmem:s22], [sflag:$0x5] =	stream.indirect.gather [hbm4b:s1+s17], $0x80, s12, s17, $0xb8;
	[tilespmem:$0x1E400] =	vst v63  }
0xaf: {  	_ =	swait.ge [sflag:s8], $0x2800  }
0xb0: {  	[sflag:s8] =	ssyncset.done $0x0  }
0xb1: {  	s10 =	simm.s32 $0x380;
	[sflag:s8] =	ssyncadd.s32 $0xFFFFD800  }
0xb2: {  	[tilespmem:s24], [sflag:$0x6] =	stream.indirect.gather [hbm4b:s1+s17], $0x80, s10, s17, $0xb8;
	[tilespmem:$0x1E400] =	vst v63  }
0xb3: {  	s12 =	sadd.s32 $0x80, s30  }
0xb4: {  	[tilespmem:s4], [sflag:$0x1] =	stream.linear.gather [hbm4b:s12+s4], $0x200, $0x38;
	[tilespmem:$0x1E400] =	vst v63  }
0xb5: {  	s0 =	sadd.s32 $0x80, s0  }
0xb6: {  	[tilespmem:s13], [sflag:$0x1] =	stream.linear.gather [hbm4b:s0+s4], $0x200, $0x38;
	[tilespmem:$0x1E400] =	vst v63  }
0xb7: {  	_ =	swait.ge [sflag:s28], $0x2800  }
0xb8: {  	[sflag:s28] =	ssyncset.done $0x0  }
0xb9: {  	[sflag:s28] =	ssyncadd.s32 $0xFFFFD800  }
0xba: {  	[spmem:s2] =	stream.indirect.scatter.add.f32 [tilespmem:s18], [sflag:$0x7], $0x80, s26, s17, $0xb8;
	[tilespmem:$0x1E400] =	vst v63  }
0xbb: {  	_ =	swait.ge [sflag:s29], $0x2800  }
0xbc: {  	[sflag:s29] =	ssyncset.done $0x0  }
0xbd: {  	[sflag:s29] =	ssyncadd.s32 $0xFFFFD800  }
0xbe: {  	[spmem:s2] =	stream.indirect.scatter.add.f32 [tilespmem:s20], [sflag:$0x8], $0x80, s15, s17, $0xb8;
	[tilespmem:$0x1E400] =	vst v63  }
0xbf: {  	_ =	swait.ge [sflag:s31], $0x2800  }
0xc0: {  	[sflag:s31] =	ssyncset.done $0x0  }
0xc1: {  	[sflag:s31] =	ssyncadd.s32 $0xFFFFD800  }
0xc2: {  	[spmem:s2] =	stream.indirect.scatter.add.f32 [tilespmem:s22], [sflag:$0x9], $0x80, s19, s17, $0xb8;
	[tilespmem:$0x1E400] =	vst v63  }
0xc3: {  	_ =	swait.ge [sflag:s3], $0x2800  }
0xc4: {  	[sflag:s3] =	ssyncset.done $0x0  }
0xc5: {  	[sflag:s3] =	ssyncadd.s32 $0xFFFFD800  }
0xc6: {  	[spmem:s2] =	stream.indirect.scatter.add.f32 [tilespmem:s24], [sflag:$0xA], $0x80, s21, s17, $0xb8;
	[tilespmem:$0x1E400] =	vst v63  }
0xc7: {  	_ =	swait.ge [sflag:s16], $0x200  }
0xc8: {  	[sflag:s16] =	ssyncset.done $0x0  }
0xc9: {  	[sflag:s16] =	ssyncadd.s32 $0xFFFFFE00  }
0xca: {  	_ =	swait.ge [sflag:s16], $0x200  }
0xcb: {  	[sflag:s16] =	ssyncset.done $0x0  }
0xcc: {  	[sflag:s16] =	ssyncadd.s32 $0xFFFFFE00  }
0xcd: {  	_ =	swait.ge [sflag:s7], $0x2800  }
0xce: {  	[sflag:s7] =	ssyncset.done $0x0  }
0xcf: {  	[sflag:s7] =	ssyncadd.s32 $0xFFFFD800  }
0xd0: {  	[tilespmem:s18], [sflag:$0x3] =	stream.indirect.gather [hbm4b:s1+s17], $0x80, s4, s17, $0xb8;
	[tilespmem:$0x1E400] =	vst v63  }
0xd1: {  	_ =	swait.ge [sflag:s9], $0x2800  }
0xd2: {  	[sflag:s9] =	ssyncset.done $0x0  }
0xd3: {  	p0 =	sne.s32 s23, $0x700;
	s30 =	simm.s32 $0x80;
	[sflag:s9] =	ssyncadd.s32 $0xFFFFD800  }
0xd4: {  	[tilespmem:s20], [sflag:$0x4] =	stream.indirect.gather [hbm4b:s1+s17], $0x80, s30, s17, $0xb8;
	[tilespmem:$0x1E400] =	vst v63  }
.Ltmp0:
0xd5: {  	_ =	swait.ge [sflag:s11], $0x2800;
	(pc) =	sbr.rel @p0 .LBB2_2-.Ltmp0, $4  }
0xd6: {  	[sflag:s11] =	ssyncset.done $0x0  }
0xd7: {  	[sflag:s11] =	ssyncadd.s32 $0xFFFFD800  }
0xd8: {  	[tilespmem:s22], [sflag:$0x5] =	stream.indirect.gather [hbm4b:s1+s17], $0x80, s14, s17, $0xb8;
	[tilespmem:$0x1E400] =	vst v63  }
0xd9: {  	s23 =	sadd.s32 $0x80, s23;
	_ =	swait.ge [sflag:s8], $0x2800  }
0xda: {  	[sflag:s8] =	ssyncset.done $0x0  }
0xdb: {  	s0 =	simm.s32 $0x180;
	[sflag:s8] =	ssyncadd.s32 $0xFFFFD800  }
0xdc: {  	[tilespmem:s24], [sflag:$0x6] =	stream.indirect.gather [hbm4b:s1+s17], $0x80, s0, s17, $0xb8;
	[tilespmem:$0x1E400] =	vst v63  }
0xdd: {  	s14 =	rddreg [dreg:$0xa]  }
0xde: {  	[tilespmem:s25], [sflag:$0x2] =	stream.linear.gather [hbm4b:s14+s4], $0x200, $0x38;
	[tilespmem:$0x1E400] =	vst v63  }
0xdf: {  	s23 =	rddreg [dreg:$0xb]  }
0xe0: {  	[tilespmem:s26], [sflag:$0x2] =	stream.linear.gather [hbm4b:s23+s4], $0x200, $0x38;
	[tilespmem:$0x1E400] =	vst v63  }
0xe1: {  	_ =	swait.ge [sflag:s28], $0x2800  }
0xe2: {  	[sflag:s28] =	ssyncset.done $0x0  }
0xe3: {  	[sflag:s28] =	ssyncadd.s32 $0xFFFFD800  }
0xe4: {  	[spmem:s2] =	stream.indirect.scatter.add.f32 [tilespmem:s18], [sflag:$0x7], $0x80, s13, s17, $0xb8;
	[tilespmem:$0x1E400] =	vst v63  }
0xe5: {  	_ =	swait.ge [sflag:s29], $0x2800  }
0xe6: {  	[sflag:s29] =	ssyncset.done $0x0  }
0xe7: {  	s5 =	simm.s32 $0x480;
	[sflag:s29] =	ssyncadd.s32 $0xFFFFD800  }
0xe8: {  	[spmem:s2] =	stream.indirect.scatter.add.f32 [tilespmem:s20], [sflag:$0x8], $0x80, s5, s17, $0xb8;
	[tilespmem:$0x1E400] =	vst v63  }
0xe9: {  	_ =	swait.ge [sflag:s31], $0x2800  }
0xea: {  	[sflag:s31] =	ssyncset.done $0x0  }
0xeb: {  	s10 =	simm.s32 $0x500;
	[sflag:s31] =	ssyncadd.s32 $0xFFFFD800  }
0xec: {  	[spmem:s2] =	stream.indirect.scatter.add.f32 [tilespmem:s22], [sflag:$0x9], $0x80, s10, s17, $0xb8;
	[tilespmem:$0x1E400] =	vst v63  }
0xed: {  	_ =	swait.ge [sflag:s3], $0x2800  }
0xee: {  	[sflag:s3] =	ssyncset.done $0x0  }
0xef: {  	s12 =	simm.s32 $0x580;
	[sflag:s3] =	ssyncadd.s32 $0xFFFFD800  }
0xf0: {  	[spmem:s2] =	stream.indirect.scatter.add.f32 [tilespmem:s24], [sflag:$0xA], $0x80, s12, s17, $0xb8;
	[tilespmem:$0x1E400] =	vst v63  }
0xf1: {  	_ =	swait.ge [sflag:s6], $0x200  }
0xf2: {  	[sflag:s6] =	ssyncset.done $0x0  }
0xf3: {  	[sflag:s6] =	ssyncadd.s32 $0xFFFFFE00  }
0xf4: {  	_ =	swait.ge [sflag:s6], $0x200  }
0xf5: {  	[sflag:s6] =	ssyncset.done $0x0  }
0xf6: {  	[sflag:s6] =	ssyncadd.s32 $0xFFFFFE00  }
0xf7: {  	_ =	swait.ge [sflag:s7], $0x2800  }
0xf8: {  	[sflag:s7] =	ssyncset.done $0x0  }
0xf9: {  	[sflag:s7] =	ssyncadd.s32 $0xFFFFD800  }
0xfa: {  	[tilespmem:s18], [sflag:$0x3] =	stream.indirect.gather [hbm4b:s1+s17], $0x80, s25, s17, $0xb8;
	[tilespmem:$0x1E400] =	vst v63  }
0xfb: {  	_ =	swait.ge [sflag:s9], $0x2800  }
0xfc: {  	[sflag:s9] =	ssyncset.done $0x0  }
0xfd: {  	s14 =	simm.s32 $0x280;
	[sflag:s9] =	ssyncadd.s32 $0xFFFFD800  }
0xfe: {  	[tilespmem:s20], [sflag:$0x4] =	stream.indirect.gather [hbm4b:s1+s17], $0x80, s14, s17, $0xb8;
	[tilespmem:$0x1E400] =	vst v63  }
0xff: {  	_ =	swait.ge [sflag:s11], $0x2800  }
0x100: {  	[sflag:s11] =	ssyncset.done $0x0  }
0x101: {  	s23 =	simm.s32 $0x300;
	[sflag:s11] =	ssyncadd.s32 $0xFFFFD800  }
0x102: {  	[tilespmem:s22], [sflag:$0x5] =	stream.indirect.gather [hbm4b:s1+s17], $0x80, s23, s17, $0xb8;
	[tilespmem:$0x1E400] =	vst v63  }
0x103: {  	_ =	swait.ge [sflag:s8], $0x2800  }
0x104: {  	[sflag:s8] =	ssyncset.done $0x0  }
0x105: {  	s5 =	simm.s32 $0x380;
	[sflag:s8] =	ssyncadd.s32 $0xFFFFD800  }
0x106: {  	[tilespmem:s24], [sflag:$0x6] =	stream.indirect.gather [hbm4b:s1+s17], $0x80, s5, s17, $0xb8;
	[tilespmem:$0x1E400] =	vst v63  }
0x107: {  	_ =	swait.ge [sflag:s28], $0x2800  }
0x108: {  	[sflag:s28] =	ssyncset.done $0x0  }
0x109: {  	[sflag:s28] =	ssyncadd.s32 $0xFFFFD800  }
0x10a: {  	[spmem:s2] =	stream.indirect.scatter.add.f32 [tilespmem:s18], [sflag:$0x7], $0x80, s26, s17, $0xb8;
	[tilespmem:$0x1E400] =	vst v63  }
0x10b: {  	_ =	swait.ge [sflag:s29], $0x2800  }
0x10c: {  	[sflag:s29] =	ssyncset.done $0x0  }
0x10d: {  	[sflag:s29] =	ssyncadd.s32 $0xFFFFD800  }
0x10e: {  	[spmem:s2] =	stream.indirect.scatter.add.f32 [tilespmem:s20], [sflag:$0x8], $0x80, s15, s17, $0xb8;
	[tilespmem:$0x1E400] =	vst v63  }
0x10f: {  	_ =	swait.ge [sflag:s31], $0x2800  }
0x110: {  	[sflag:s31] =	ssyncset.done $0x0  }
0x111: {  	[sflag:s31] =	ssyncadd.s32 $0xFFFFD800  }
0x112: {  	[spmem:s2] =	stream.indirect.scatter.add.f32 [tilespmem:s22], [sflag:$0x9], $0x80, s19, s17, $0xb8;
	[tilespmem:$0x1E400] =	vst v63  }
0x113: {  	_ =	swait.ge [sflag:s3], $0x2800  }
0x114: {  	[sflag:s3] =	ssyncset.done $0x0  }
0x115: {  	[sflag:s3] =	ssyncadd.s32 $0xFFFFD800  }
0x116: {  	[spmem:s2] =	stream.indirect.scatter.add.f32 [tilespmem:s24], [sflag:$0xA], $0x80, s21, s17, $0xb8;
	[tilespmem:$0x1E400] =	vst v63  }
0x117: {  	_ =	swait.ge [sflag:s7], $0x2800  }
0x118: {  	[sflag:s7] =	ssyncset.done $0x0  }
0x119: {  	[sflag:s7] =	ssyncadd.s32 $0xFFFFD800  }
0x11a: {  	_ =	swait.ge [sflag:s9], $0x2800  }
0x11b: {  	[sflag:s9] =	ssyncset.done $0x0  }
0x11c: {  	[sflag:s9] =	ssyncadd.s32 $0xFFFFD800  }
0x11d: {  	_ =	swait.ge [sflag:s11], $0x2800  }
0x11e: {  	[sflag:s11] =	ssyncset.done $0x0  }
0x11f: {  	[sflag:s11] =	ssyncadd.s32 $0xFFFFD800  }
0x120: {  	_ =	swait.ge [sflag:s8], $0x2800  }
0x121: {  	[sflag:s8] =	ssyncset.done $0x0  }
0x122: {  	[sflag:s8] =	ssyncadd.s32 $0xFFFFD800  }
0x123: {  	[bflag:$0x0] =	sbarrier.arrive $0xFFFF  }
0x124: {  	s12 =	rddreg [dreg:$0x9]  }
0x125: {  	s10 =	rddreg [dreg:$0xc]  }
0x126: {  	s5 =	rddreg [dreg:$0xe]  }
0x127: {  	[hbm:s10], [sflag:s12] =	dma.local [spmem:s5], $0x2780  }
0x128: {  	s10 =	simm.s32 $0xB  }
0x129: {  	_ =	swait.ge [sflag:s10], $0x2780  }
0x12a: {  	s23 =	rddreg [dreg:$0xf]  }
0x12b: {  	s14 =	rddreg [dreg:$0xd];
	s23 =	sadd.s32 $0x1, s23  }
0x12c: {  	p0 =	sne.s32 s23, s14  }
.Ltmp1:
0x12d: {  	_ = 	snop;
	(pc) =	sbr.rel @p0 .LBB2_1-.Ltmp1, $3  }
0x12e: {  	_ =	sdelay $0x1  }
0x12f: {  	[sflag:s10] =	ssyncset.done $0x0  }
0x130: {  	[sflag:s10] =	ssyncadd.s32 $0xFFFFD880;
	s14 =	simm.s32 $0x100  }
0x131: {  	_ =	sfence.sel $0x180000  }
0x132: {  	[bflag:$0x0] =	sbarrier.arrive $0xFFFF  }
0x133: {  	_ =	strace $0x9000004A  }
0x134: {  	s0 =	stileid.u32;
	[bflag:$0x2] =	sbarrier.arrive $0xFFFF  }
0x135: {  	p0 =	sne.s32 s0, $0x0;
	s0 =	rddreg [dreg:$0x3]  }
0x136: {  	s0 =	sadd.s32 @!p0 $0x100000, s0  }
0x137: {  	[sflag:s0] =	ssyncadd.tile.s32 @!p0 $0x1;
	_ =	shalt  }
.Lfunc_end2:
_tile_overlayer_lowered:
.L_overlay_start_2:
0x138: {  	(tag) =	ssettag $0x2  }
0x139: {  	s0 =	rddreg [dreg:$0x0];
	s2 =	stileid.u32  }
0x13a: {  	s1 =	rddreg [dreg:$0x1];
	p0 =	sne.s32 s2, $0x0  }
0x13b: {  	s3 =	rddreg [dreg:$0x2];
	[bflag:$0x3] =	sbarrier.arrive $0xFFFF;
	s2 =	simm.s32 @!p0 $0x1C0B  }
0x13c: {  	[timem:s3], [sflag:s2] =	dma.local @!p0 [hbm:s0], s1  }
0x13d: {  	s0 =	simm.s32 @!p0 $0xB  }
0x13e: {  	_ =	swait.ge @!p0 [sflag:s0], s1  }
0x13f: {  	s1 =	ssub.s32 @!p0 $0x0, s1;
	[sflag:s0] =	ssyncset.done @!p0 $0x0  }
0x140: {  	[sflag:s0] =	ssyncadd.s32 @!p0 s1  }
0x141: {  	[bflag:$0x3] =	sbarrier.arrive $0xFFFF  }
0x142: {  	_ =	shalt  }

// kernel: kernel.5.cloned.1.call-start
scs
__scs_entry_jumppad:
0x0: {  	(pc) =	sbr.rel $0x88, $3  }
0x1: {  	(tag) =	ssettag $0x0;
	lr =	simm.s32 $0x1  }
0x2: {  	[smem:$0x3F95] =	sst lr;
	_ =	strace $0xD0000000  }
0x3: {  	_ = 	snop  }
0x4: {  	_ = 	snop  }
0x5: {  	_ = 	snop  }
0x6: {  	_ = 	snop  }
0x7: {  	_ = 	snop  }
__scs_overlays_trampoline_lowered:
0x8: {  	[smem:$0x3FA4] =	sst s0  }
0x9: {  	[smem:$0x3FA5] =	sst s1  }
0xa: {  	[smem:$0x3FA6] =	sst s2  }
0xb: {  	[smem:$0x3FA7] =	sst s3  }
0xc: {  	[smem:$0x3FA8] =	sst s4  }
0xd: {  	[smem:$0x3FA9] =	sst s5  }
0xe: {  	[smem:$0x3FAA] =	sst s6  }
0xf: {  	[smem:$0x3FAB] =	sst s7  }
0x10: {  	[smem:$0x3FAC] =	sst s8  }
0x11: {  	[smem:$0x3FAD] =	sst s9;
	s0 =	simm.s32 @!p0 $0x0  }
0x12: {  	s1 =	sld [smem:$0x3F93];
	s0 =	simm.s32 @p0 $0x1  }
0x13: {  	[smem:$0x3FAE] =	sst s0;
	s0 =	simm.s32 @!p1 $0x0  }
0x14: {  	s2 =	sld [smem:$0x3F92];
	s0 =	simm.s32 @p1 $0x1  }
0x15: {  	[smem:$0x3FAF] =	sst s0;
	s0 =	simm.s32 @!p2 $0x0  }
0x16: {  	s3 =	sld [smem:$0x3FDB];
	s0 =	simm.s32 @p2 $0x1  }
0x17: {  	s4 =	simm.s32 $0x1BF5;
	[smem:$0x3FB1] =	sst s0  }
0x18: {  	s0 =	sld [smem:$0x3F94];
	_ =	swait.ge [sflag:s4], $0x0  }
0x19: {  	s7 =	sld [smem:$0x3F95]  }
0x1a: {  	s8 =	sadd.s32 $0xFFFFE003, lr  }
0x1b: {  	s9 =	sadd.s32 $0xFFFFFEF7, lr;
	s5 =	simm.s32 $0xFFFFFFFF;
	p2 =	slt.u32 s8, $0xFFFFF086  }
0x1c: {  	p1 =	slt.u32 s9, $0xF7A;
	s5 =	simm.s32 @!p2 $0x0  }
0x1d: {  	s5 =	simm.s32 @p1 $0x1;
	p0 =	seq.s32 s7, s2  }
0x1e: {  	s7 =	smul.u32 @!p0 $0xF7A, s2;
	p2 =	seq.s32 @!p0 s5, $0x0  }
0x1f: {  	s9 =	smul.u32 $0xF7A, s1;
	s8 =	simm.s32 @!p0 $0x1BF5;
	p2 =	por !p2, p0  }
0x20: {  	[sflag:s8] =	ssyncset.s32 @!p0 $0xFFFFF086;
	s6 =	sadd.s32 @!p0 s3, s7;
	s7 =	simm.s32 @!p0 $0x108  }
0x21: {  	s3 =	sadd.s32 s3, s9;
	s6 =	sadd.s32 @!p0 $0x88, s6;
	s7 =	simm.s32 @p2 $0x1082  }
0x22: {  	[simem:s7], [sflag:s8] =	dma.local @!p0 [hbm:s6], $0xF7A  }
0x23: {  	s9 =	sor.u32 $0xD0000000, s2;
	s6 =	simm.s32 $0x108;
	_ =	swait.ge @!p0 [sflag:s8], $0x0  }
0x24: {  	s3 =	sadd.s32 $0x88, s3;
	s6 =	simm.s32 @!p1 $0x1082;
	[sflag:s4] =	ssyncset.s32 $0xFFFFF086  }
0x25: {  	[simem:s6], [sflag:s4] =	dma.local [hbm:s3], $0xF7A  }
0x26: {  	[smem:$0x3F95] =	sst s1;
	(tag) =	ssettag s2;
	_ =	strace s9  }
0x27: {  	s1 =	sld [smem:$0x3FA5]  }
0x28: {  	s2 =	sld [smem:$0x3FA6]  }
0x29: {  	s4 =	sld [smem:$0x3FA8]  }
0x2a: {  	p0 =	seq.s32 s5, $0x0;
	s5 =	sld [smem:$0x3FA9]  }
0x2b: {  	s6 =	sld [smem:$0x3FAA]  }
0x2c: {  	s7 =	sld [smem:$0x3FAB]  }
0x2d: {  	s3 =	simm.s32 $0x108;
	s8 =	sld [smem:$0x3FAC]  }
0x2e: {  	s3 =	simm.s32 @!p0 $0x1082;
	s9 =	sld [smem:$0x3FAD]  }
0x2f: {  	lr =	sadd.s32 s0, s3;
	s0 =	sld [smem:$0x3FA4]  }
0x30: {  	s3 =	sld [smem:$0x3FA7]  }
0x31: {  	[smem:$0x3FB0] =	sst s10  }
0x32: {  	s10 =	sld [smem:$0x3FAE];
	_ =	sdelay $0x3  }
0x33: {  	p0 =	seq.s32 s10, $0x1;
	s10 =	sld [smem:$0x3FB0];
	_ =	sdelay $0x3  }
0x34: {  	[smem:$0x3FB0] =	sst s10  }
0x35: {  	s10 =	sld [smem:$0x3FAF];
	_ =	sdelay $0x3  }
0x36: {  	p1 =	seq.s32 s10, $0x1;
	s10 =	sld [smem:$0x3FB0];
	_ =	sdelay $0x3  }
0x37: {  	[smem:$0x3FB0] =	sst s10  }
0x38: {  	s10 =	sld [smem:$0x3FB1]  }
0x39: {  	_ = 	snop;
	(pc) =	sbr.ind lr, $3  }
0x3a: {  	_ = 	snop  }
0x3b: {  	_ = 	snop  }
0x3c: {  	p2 =	seq.s32 s10, $0x1;
	s10 =	sld [smem:$0x3FB0]  }
0x3d: {  	_ =	shalt  }
0x3e: {  	_ =	shalt  }
0x3f: {  	_ =	shalt  }
0x40: {  	_ =	shalt  }
0x41: {  	_ =	shalt  }
0x42: {  	_ =	shalt  }
0x43: {  	_ =	shalt  }
0x44: {  	_ =	shalt  }
0x45: {  	_ =	shalt  }
0x46: {  	_ =	shalt  }
0x47: {  	_ =	shalt  }
0x48: {  	_ =	shalt  }
0x49: {  	_ =	shalt  }
0x4a: {  	_ =	shalt  }
0x4b: {  	_ =	shalt  }
0x4c: {  	_ =	shalt  }
0x4d: {  	_ =	shalt  }
0x4e: {  	_ =	shalt  }
0x4f: {  	_ =	shalt  }
0x50: {  	_ =	shalt  }
0x51: {  	_ =	shalt  }
0x52: {  	_ =	shalt  }
0x53: {  	_ =	shalt  }
0x54: {  	_ =	shalt  }
0x55: {  	_ =	shalt  }
0x56: {  	_ =	shalt  }
0x57: {  	_ =	shalt  }
0x58: {  	_ =	shalt  }
0x59: {  	_ =	shalt  }
0x5a: {  	_ =	shalt  }
0x5b: {  	_ =	shalt  }
0x5c: {  	_ =	shalt  }
0x5d: {  	_ =	shalt  }
0x5e: {  	_ =	shalt  }
0x5f: {  	_ =	shalt  }
0x60: {  	_ =	shalt  }
0x61: {  	_ =	shalt  }
0x62: {  	_ =	shalt  }
0x63: {  	_ =	shalt  }
0x64: {  	_ =	shalt  }
0x65: {  	_ =	shalt  }
0x66: {  	_ =	shalt  }
0x67: {  	_ =	shalt  }
0x68: {  	_ =	shalt  }
0x69: {  	_ =	shalt  }
0x6a: {  	_ =	shalt  }
0x6b: {  	_ =	shalt  }
0x6c: {  	_ =	shalt  }
0x6d: {  	_ =	shalt  }
0x6e: {  	_ =	shalt  }
0x6f: {  	_ =	shalt  }
0x70: {  	_ =	shalt  }
0x71: {  	_ =	shalt  }
0x72: {  	_ =	shalt  }
0x73: {  	_ =	shalt  }
0x74: {  	_ =	shalt  }
0x75: {  	_ =	shalt  }
0x76: {  	_ =	shalt  }
0x77: {  	_ =	shalt  }
0x78: {  	_ =	shalt  }
0x79: {  	_ =	shalt  }
0x7a: {  	_ =	shalt  }
0x7b: {  	_ =	shalt  }
0x7c: {  	_ =	shalt  }
0x7d: {  	_ =	shalt  }
0x7e: {  	_ =	shalt  }
0x7f: {  	_ =	shalt  }
0x80: {  	_ =	shalt  }
0x81: {  	_ =	shalt  }
0x82: {  	_ =	shalt  }
0x83: {  	_ =	shalt  }
0x84: {  	_ =	shalt  }
0x85: {  	_ =	shalt  }
0x86: {  	_ =	shalt  }
0x87: {  	_ =	shalt  }
.Lfunc_end0:
.L_simem_size_0:
called_computation.1_lowered:
.L_overlay_start_0:
0x88: {  	s2 =	sld [smem:$0x3FD9]  }
0x89: {  	s3 =	sld [smem:$0x3FFE];
	_ =	sdelay $0x1  }
0x8a: {  	s1 =	srdreg.scid  }
0x8b: {  	s0 =	sand.u32 $0x1, s1  }
0x8c: {  	s17 =	sshll.u32 s0, $0xA;
	s2 =	sadd.s32 s3, s2  }
0x8d: {  	s2 =	sadd.s32 s2, s17  }
0x8e: {  	[smem:$0x3FBC] =	sst s2  }
0x8f: {  	_ = 	snop  }
0x90: {  	s2 =	sld [smem:$0x3FD0];
	(tm) =	ssettm $0x1  }
0x91: {  	s18 =	sld [smem:$0x3FFB];
	_ =	sdelay $0x3  }
0x92: {  	_ =	strace s18  }
0x93: {  	s3 =	sld [smem:$0x3FFC];
	_ =	sdelay $0x3  }
0x94: {  	_ =	strace s3  }
0x95: {  	s3 =	sld [smem:$0x3FFD];
	_ =	sdelay $0x3  }
0x96: {  	_ =	strace s3  }
0x97: {  	_ =	strace $0x8FFFFFFF  }
0x98: {  	s19 =	sld [smem:$0x3FDB];
	_ =	sdelay $0x1  }
0x99: {  	s4 =	simm.s32 $_scs_section_size  }
0x9a: {  	s5 =	simm.s32 $_size__tile_overlayer_lowered;
	s6 =	simm.s32 $_tile_overlayer_lowered  }
0x9b: {  	s22 =	simm.s32 $0x1BFF;
	s21 =	sshll.u32 s6, $0x1;
	s3 =	sadd.s32 s4, s19  }
0x9c: {  	s7 =	simm.s32 $0x0;
	s20 =	sshll.u32 s5, $0x1;
	s5 =	sadd.s32 s21, s3  }
0x9d: {  	[timem:s7], [sflag:s22] =	dma.local [hbm:s5], s20  }
0x9e: {  	_ =	swait.ge [sflag:s22], s20  }
0x9f: {  	s4 =	ssub.s32 $0x0, s20;
	[sflag:s22] =	ssyncset.done $0x0  }
0xa0: {  	[sflag:s22] =	ssyncadd.s32 s4;
	_ =	sdelay $0x1  }
0xa1: {  	s23 =	simm.s32 $0x1B8B  }
0xa2: {  	_ =	swait.ge [sflag:s23], $0x1  }
0xa3: {  	[sflag:s23] =	ssyncset.done $0x0  }
0xa4: {  	s25 =	simm.s32 $0x1B8E;
	s24 =	sld [smem:$0x3FFE];
	[sflag:s23] =	ssyncadd.s32 $0xFFFFFFFF  }
0xa5: {  	s26 =	simm.s32 $execute0_lowered;
	[smem:$0x3FD2] =	sst s25  }
0xa6: {  	s5 =	sshll.u32 s26, $0x1;
	_ =	strace $0x80000046;
	[dreg:$0x1] =	wrdreg $0xFFFFFFFF  }
0xa7: {  	s28 =	simm.s32 $_size_execute0_lowered;
	s3 =	sadd.s32 s3, s5;
	[dreg:$0x0] =	wrdreg $0x0  }
0xa8: {  	s5 =	sshll.u32 s28, $0x1;
	[dreg:$0x2] =	wrdreg s3  }
0xa9: {  	[dreg:$0x3] =	wrdreg s5  }
0xaa: {  	[dreg:$0x4] =	wrdreg $0xC0  }
0xab: {  	_ =	task [dreg:s7], $0x5FFFF  }
0xac: {  	[dreg:$0x1] =	wrdreg $0xFFFFFFFF  }
0xad: {  	[dreg:$0x0] =	wrdreg $0x60  }
0xae: {  	[dreg:$0x2] =	wrdreg s2  }
0xaf: {  	[dreg:$0x3] =	wrdreg s24  }
0xb0: {  	[dreg:$0x4] =	wrdreg $0x68000  }
0xb1: {  	[dreg:$0x5] =	wrdreg $0x9  }
0xb2: {  	_ =	task.clear_ibuf [dreg:s7], $0x6FFFF;
	_ =	strace $0x90000046  }
0xb3: {  	s29 =	simm.s32 $0x9;
	_ =	strace $0x80000048  }
0xb4: {  	_ =	swait.ge [sflag:s29], $0x1  }
0xb5: {  	[sflag:s29] =	ssyncadd.s32 $0xFFFFFFFF  }
0xb6: {  	_ =	strace $0x90000048  }
0xb7: {  	_ =	sfence  }
0xb8: {  	s30 =	sld [smem:$0x0];
	_ =	sdelay $0x2  }
0xb9: {  	s31 =	sshll.u32 s1, $0xD;
	s1 =	sshrl.u32 s1, $0x2  }
0xba: {  	s3 =	sand.u32 $0x4000, s31;
	s1 =	sadd.s32 s1, s30  }
0xbb: {  	s0 =	sor.u32 s3, s0;
	s1 =	sshll.u32 s1, $0x11  }
0xbc: {  	s0 =	sor.u32 s1, s0  }
0xbd: {  	s0 =	sadd.s32 $0x8F2B, s0  }
0xbe: {  	[sflag:s0] =	ssyncadd.remote.s32 $0x1  }
0xbf: {  	_ =	sfence.sel $0xFFFF  }
0xc0: {  	[dreg:$0x0] =	wrdreg $0xFFFFFFFF;
	(pc) =	sbr.abs _section_cstart, $3  }
0xc1: {  	[dreg:$0x1] =	wrdreg $0xFFFFFFFF  }
0xc2: {  	_ =	task.clear_ibuf [dreg:s7], $0x2FFFF;
	_ =	strace $0x9FFFFFFF  }
0xc3: {  	(tm) =	ssettm $0x7FFFFFFF  }
tec
execute0_lowered:
.L_overlay_start_1:
0x0: {  	(tag) =	ssettag $0x1  }
0x1: {  	s6 =	rddreg [dreg:$0x0]  }
0x2: {  	s7 =	rddreg [dreg:$0x1]  }
0x3: {  	s2 =	rddreg [dreg:$0x2]  }
0x4: {  	s0 =	srdreg.scid;
	s1 =	rddreg [dreg:$0x3]  }
0x5: {  	s3 =	simm.s32 $0x0;
	s13 =	simm.s32 $0x50;
	s14 =	simm.s32 $0x80  }
0x6: {  	s15 =	simm.s32 $0x100;
	s16 =	simm.s32 $0x180;
	s17 =	simm.s32 $0x200  }
0x7: {  	s18 =	simm.s32 $0x280;
	s19 =	simm.s32 $0x300;
	s20 =	simm.s32 $0x380  }
0x8: {  	s21 =	simm.s32 $0x1;
	s8 =	sand.u32 $0x1, s0;
	s0 =	stileid.u32  }
0x9: {  	s22 =	simm.s32 $0x0;
	[smem:$0x7FF] =	sst s3;
	s4 =	smul.u32 $0x13C000, s8  }
0xa: {  	s5 =	smul.u32 $0x13C00, s0;
	_ =	strace $0x80000047;
	s28 =	ssub.s32 $0x2, s8  }
0xb: {  	s10 =	sshll.u32 s0, $0xB;
	s11 =	smul.u32 $0x4F000, s0;
	s8 =	sshll.u32 s8, $0xF  }
0xc: {  	s31 =	sshll.u32 s0, $0x6;
	s12 =	sshrl.u32 s28, $0x1;
	s6 =	sadd.s32 s6, s10  }
0xd: {  	s10 =	simm.s32 $0x2;
	s4 =	sadd.s32 s5, s4;
	s5 =	sadd.s32 $0x3A00, s7  }
0xe: {  	s6 =	sadd.s32 s8, s6;
	s29 =	sshrl.u32 s11, $0x2;
	s11 =	sor.u32 $0x1C02, s31  }
0xf: {  	s9 =	sshrl.u32 s4, $0x3;
	s4 =	sadd.s32 $0x3400, s7;
	s30 =	sadd.s32 s29, s2  }
0x10: {  	s7 =	sadd.s32 s9, s7;
	s9 =	ssub.s32 s28, s12;
	s12 =	sshrl.u32 s30, $0x3  }
0x11: {  	s7 =	sadd.s32 $0x6200, s7;
	s8 =	smax.u32 s9, $0x1;
	s9 =	simm.s32 $0x4000  }
.LBB2_1:
0x12: {  	[tilespmem:s9], [sflag:$0x2] =	stream.linear.gather [hbm4b:s4+s3], $0x2800, $0x38;
	[tilespmem:$0x1A400] =	vst v63  }
0x13: {  	_ =	swait.ge [sflag:s10], $0x2800  }
0x14: {  	[sflag:s10] =	ssyncset.done $0x0  }
0x15: {  	[sflag:s10] =	ssyncadd.s32 $0xFFFFD800  }
0x16: {  	[tilespmem:s3], [sflag:$0x2] =	stream.linear.gather [hbm4b:s6+s3], $0x4000, $0x38;
	[tilespmem:$0x1A400] =	vst v63  }
0x17: {  	_ =	swait.ge [sflag:s10], $0x4000  }
0x18: {  	[sflag:s10] =	ssyncset.done $0x0  }
0x19: {  	[sflag:s10] =	ssyncadd.s32 $0xFFFFC000  }
0x1a: {  	[spmem:s12], [sflag:s11] =	dma.local [hbm:s5], $0x2780  }
0x1b: {  	_ =	swait.ge [sflag:s10], $0x2780  }
0x1c: {  	[sflag:s10] =	ssyncset.done $0x0  }
0x1d: {  	[sflag:s10] =	ssyncadd.s32 $0xFFFFD880  }
0x1e: {  	[bflag:$0x0] =	sbarrier.arrive $0xFFFF  }
0x1f: {  	[spmem:s2] =	stream.indirect.scatter.add.f32 [tilespmem:s9], [sflag:$0x1], $0x80, s3, s13, $0xb8;
	[tilespmem:$0x1A400] =	vst v63  }
0x20: {  	_ = 	snop  }
0x21: {  	[spmem:s2] =	stream.indirect.scatter.add.f32 [tilespmem:s9], [sflag:$0x1], $0x80, s14, s13, $0xb8;
	[tilespmem:$0x1A400] =	vst v63  }
0x22: {  	_ = 	snop  }
0x23: {  	[spmem:s2] =	stream.indirect.scatter.add.f32 [tilespmem:s9], [sflag:$0x1], $0x80, s15, s13, $0xb8;
	[tilespmem:$0x1A400] =	vst v63  }
0x24: {  	_ = 	snop  }
0x25: {  	[spmem:s2] =	stream.indirect.scatter.add.f32 [tilespmem:s9], [sflag:$0x1], $0x80, s16, s13, $0xb8;
	[tilespmem:$0x1A400] =	vst v63  }
0x26: {  	_ = 	snop  }
0x27: {  	[spmem:s2] =	stream.indirect.scatter.add.f32 [tilespmem:s9], [sflag:$0x1], $0x80, s17, s13, $0xb8;
	[tilespmem:$0x1A400] =	vst v63  }
0x28: {  	_ = 	snop  }
0x29: {  	[spmem:s2] =	stream.indirect.scatter.add.f32 [tilespmem:s9], [sflag:$0x1], $0x80, s18, s13, $0xb8;
	[tilespmem:$0x1A400] =	vst v63  }
0x2a: {  	_ = 	snop  }
0x2b: {  	[spmem:s2] =	stream.indirect.scatter.add.f32 [tilespmem:s9], [sflag:$0x1], $0x80, s19, s13, $0xb8;
	[tilespmem:$0x1A400] =	vst v63  }
0x2c: {  	_ = 	snop  }
0x2d: {  	[spmem:s2] =	stream.indirect.scatter.add.f32 [tilespmem:s9], [sflag:$0x1], $0x80, s20, s13, $0xb8;
	[tilespmem:$0x1A400] =	vst v63  }
0x2e: {  	_ =	swait.ge [sflag:s21], $0x2800  }
0x2f: {  	[sflag:s21] =	ssyncset.done $0x0  }
0x30: {  	s23 =	simm.s32 $0x1200;
	s24 =	simm.s32 $0x400;
	[sflag:s21] =	ssyncadd.s32 $0xFFFFD800  }
.LBB2_2:
0x31: {  	[spmem:s2] =	stream.indirect.scatter.add.f32 [tilespmem:s9], [sflag:$0x1], $0x80, s24, s13, $0xb8;
	[tilespmem:$0x1A400] =	vst v63  }
0x32: {  	s24 =	smov.u32 s23;
	p0 =	sne.s32 s23, $0xFE00  }
.Ltmp0:
0x33: {  	s23 =	sadd.s32 $0x200, s23;
	(pc) =	sbr.rel @p0 .LBB2_2-.Ltmp0, $4  }
0x34: {  	_ = 	snop  }
0x35: {  	_ =	swait.ge [sflag:s21], $0x2800  }
0x36: {  	[sflag:s21] =	ssyncset.done $0x0  }
0x37: {  	s24 =	sshra.s32 s24, $0x2;
	[sflag:s21] =	ssyncadd.s32 $0xFFFFD800  }
0x38: {  	[spmem:s2] =	stream.indirect.scatter.add.f32 [tilespmem:s9], [sflag:$0x1], $0x80, s24, s13, $0xb8;
	[tilespmem:$0x1A400] =	vst v63  }
0x39: {  	_ =	swait.ge [sflag:s21], $0x2800  }
0x3a: {  	[sflag:s21] =	ssyncset.done $0x0  }
0x3b: {  	[sflag:s21] =	ssyncadd.s32 $0xFFFFD800  }
0x3c: {  	_ =	swait.ge [sflag:s21], $0x2800  }
0x3d: {  	[sflag:s21] =	ssyncset.done $0x0  }
0x3e: {  	[sflag:s21] =	ssyncadd.s32 $0xFFFFD800  }
0x3f: {  	_ =	swait.ge [sflag:s21], $0x2800  }
0x40: {  	[sflag:s21] =	ssyncset.done $0x0  }
0x41: {  	[sflag:s21] =	ssyncadd.s32 $0xFFFFD800  }
0x42: {  	_ =	swait.ge [sflag:s21], $0x2800  }
0x43: {  	[sflag:s21] =	ssyncset.done $0x0  }
0x44: {  	[sflag:s21] =	ssyncadd.s32 $0xFFFFD800  }
0x45: {  	_ =	swait.ge [sflag:s21], $0x2800  }
0x46: {  	[sflag:s21] =	ssyncset.done $0x0  }
0x47: {  	[sflag:s21] =	ssyncadd.s32 $0xFFFFD800  }
0x48: {  	_ =	swait.ge [sflag:s21], $0x2800  }
0x49: {  	[sflag:s21] =	ssyncset.done $0x0  }
0x4a: {  	[sflag:s21] =	ssyncadd.s32 $0xFFFFD800  }
0x4b: {  	_ =	swait.ge [sflag:s21], $0x2800  }
0x4c: {  	[sflag:s21] =	ssyncset.done $0x0  }
0x4d: {  	[sflag:s21] =	ssyncadd.s32 $0xFFFFD800  }
0x4e: {  	_ =	swait.ge [sflag:s21], $0x2800  }
0x4f: {  	s22 =	sadd.s32 $0x1, s22;
	[sflag:s21] =	ssyncset.done $0x0  }
0x50: {  	p0 =	sne.s32 s22, s8;
	[sflag:s21] =	ssyncadd.s32 $0xFFFFD800  }
.Ltmp1:
0x51: {  	[bflag:$0x0] =	sbarrier.arrive $0xFFFF;
	(pc) =	sbr.rel @p0 .LBB2_1-.Ltmp1, $4  }
0x52: {  	[hbm:s7], [sflag:s11] =	dma.local [spmem:s12], $0x2780  }
0x53: {  	_ =	swait.ge [sflag:s10], $0x2780  }
0x54: {  	[sflag:s10] =	ssyncset.done $0x0  }
0x55: {  	[sflag:s10] =	ssyncadd.s32 $0xFFFFD880  }
0x56: {  	_ =	sfence.sel $0x180000  }
0x57: {  	[bflag:$0x0] =	sbarrier.arrive $0xFFFF  }
0x58: {  	p0 =	sne.s32 s0, $0x0;
	_ =	strace $0x90000047  }
0x59: {  	s0 =	sadd.s32 @!p0 $0x100000, s1;
	[bflag:$0x2] =	sbarrier.arrive $0xFFFF  }
0x5a: {  	[sflag:s0] =	ssyncadd.tile.s32 @!p0 $0x1;
	_ =	shalt  }
.Lfunc_end2:
_tile_overlayer_lowered:
.L_overlay_start_2:
0x5b: {  	(tag) =	ssettag $0x2  }
0x5c: {  	s0 =	rddreg [dreg:$0x0];
	s2 =	stileid.u32  }
0x5d: {  	s1 =	rddreg [dreg:$0x1];
	p0 =	sne.s32 s2, $0x0  }
0x5e: {  	s3 =	rddreg [dreg:$0x2];
	[bflag:$0x3] =	sbarrier.arrive $0xFFFF;
	s2 =	simm.s32 @!p0 $0x1C02  }
0x5f: {  	[timem:s3], [sflag:s2] =	dma.local @!p0 [hbm:s0], s1  }
0x60: {  	s0 =	simm.s32 @!p0 $0x2  }
0x61: {  	_ =	swait.ge @!p0 [sflag:s0], s1  }
0x62: {  	s1 =	ssub.s32 @!p0 $0x0, s1;
	[sflag:s0] =	ssyncset.done @!p0 $0x0  }
0x63: {  	[sflag:s0] =	ssyncadd.s32 @!p0 s1  }
0x64: {  	[bflag:$0x3] =	sbarrier.arrive $0xFFFF  }
0x65: {  	_ =	shalt  }

</sc_bundles>
